<compile_context>
chip_gen: v7x
topology: tpu7x:2x2x1
jax: 0.10.2.dev20260603
libtpu: 0.0.44.dev20260713+nightly
codegen_flags: <defaults>
</compile_context>

<pallas_src>
import functools

import jax
import jax.numpy as jnp
from jax import lax
from jax.experimental import pallas as pl
from jax.experimental.pallas import tpu as pltpu
from jax.experimental.pallas import tpu_sc as plsc

_B, _E = 32, 8192
_NNZ = 1024
_BISECT_ITERS = 32


def _hi_init(mx):
    return mx + jnp.abs(mx) * 1e-6 + 1e-30


def _kth_largest(x, k, iters):
    lo = jnp.min(x, axis=1, keepdims=True)
    hi = _hi_init(jnp.max(x, axis=1, keepdims=True))

    def body(_, c):
        l, h = c
        mid = 0.5 * (l + h)
        cnt = jnp.sum((x >= mid).astype(jnp.int32), axis=1, keepdims=True)
        p = cnt >= k
        return jnp.where(p, mid, l), jnp.where(p, h, mid)

    lo, hi = lax.fori_loop(0, iters, body, (lo, hi))
    return lo, hi


def _stage1(bp_ref, t_ref, bt_ref, bn_ref, bd_ref):
    t = t_ref[...]
    bt = bt_ref[...]
    bp = bp_ref[0]
    mx = jnp.max(t, axis=1, keepdims=True)
    mn = jnp.min(t, axis=1, keepdims=True)
    closeness = (mx - t) / (mx - mn + 1e-6)
    bn = bt + closeness * bp
    bn_ref[...] = bn
    bd_ref[...] = jnp.where(t > 0.0, t, 0.0) + bn


_SEG = (_B * _E) // 16
_EPT = _NNZ // 16


def _sc_scatter_body(bd_hbm, idx_hbm, val_hbm, out_hbm,
                     i01_v, i45_v, aff_v, aee_v, val_v, g_v, table_sh,
                     sem_stg, sem_g):
    c = lax.axis_index("c")
    s = lax.axis_index("s")

    @pl.when(c == 0)
    def _():
        stg = pltpu.async_copy(bd_hbm.at[pl.ds(s * _SEG, _SEG)],
                               table_sh.at[pl.ds(s * _SEG, _SEG)], sem_stg)
        sl0 = pl.ds(s * _EPT, _EPT)
        pltpu.sync_copy(idx_hbm.at[0, sl0], i01_v)
        pltpu.sync_copy(idx_hbm.at[1, sl0], i45_v)
        pltpu.sync_copy(idx_hbm.at[4, sl0], aff_v)
        pltpu.sync_copy(idx_hbm.at[5, sl0], aee_v)
        pltpu.sync_copy(val_hbm.at[sl0], val_v)
        for j in range(_EPT // 16):
            sl = pl.ds(j * 16, 16)
            aee_v[sl] = aff_v[sl] * _E + aee_v[sl]
            aff_v[sl] = i01_v[sl] * _E + i45_v[sl]
        pltpu.async_copy(bd_hbm.at[aff_v], g_v, sem_g).wait()
        for j in range(_EPT // 16):
            sl = pl.ds(j * 16, 16)
            g_v[sl] = g_v[sl] * val_v[sl]
        stg.wait()
        plsc.subcore_barrier()
        pltpu.sync_copy(g_v, table_sh.at[aee_v], add=True)
        plsc.subcore_barrier()
        pltpu.sync_copy(table_sh.at[pl.ds(s * _SEG, _SEG)],
                        out_hbm.at[pl.ds(s * _SEG, _SEG)])


@functools.cache
def _get_sc_scatter():
    return pl.kernel(
        _sc_scatter_body,
        out_type=jax.ShapeDtypeStruct((_B * _E,), jnp.float32),
        mesh=plsc.VectorSubcoreMesh(core_axis_name="c", subcore_axis_name="s"),
        scratch_types=[
            pltpu.VMEM((_EPT,), jnp.int32),
            pltpu.VMEM((_EPT,), jnp.int32),
            pltpu.VMEM((_EPT,), jnp.int32),
            pltpu.VMEM((_EPT,), jnp.int32),
            pltpu.VMEM((_EPT,), jnp.float32),
            pltpu.VMEM((_EPT,), jnp.float32),
            pltpu.VMEM_SHARED((_B * _E,), jnp.float32),
            pltpu.SemaphoreType.DMA,
            pltpu.SemaphoreType.DMA,
        ],
    )


def _stage2(k_ref, dc_ref, inh_ref, bn_ref, val_ref,
            pm_ref, bo_ref, cols_ref, nv_ref):
    kmin = k_ref[0]
    kmax = k_ref[1]
    x = inh_ref[...]
    bn = bn_ref[...]

    thresh, _ = _kth_largest(x, kmax, _BISECT_ITERS)
    pre = ((x >= thresh) & (x > 0.0)).astype(jnp.float32)
    aa = jnp.sum(pre)
    pm_ref[...] = pre
    bo_ref[...] = jnp.where(pre > 0.0, 0.0, bn)

    cond = aa < kmin.astype(jnp.float32)

    @pl.when(cond)
    def _():
        bth, _ = _kth_largest(bn, kmin, _BISECT_ITERS)
        pm = jnp.maximum(pre, (bn >= bth).astype(jnp.float32))
        pm_ref[...] = pm
        bo_ref[...] = jnp.where(pm > 0.0, 0.0, bn)

    x0 = x[0:1, :]
    x0r = x0.reshape(64, 128)
    gidx = (lax.broadcasted_iota(jnp.int32, (64, 128), 0) * 128
            + lax.broadcasted_iota(jnp.int32, (64, 128), 1))

    mx0 = jnp.max(x0r)
    top = jnp.min(jnp.where(x0r == mx0, gidx, _E))

    lane = lax.broadcasted_iota(jnp.int32, (1, 128), 1)
    t0 = thresh[0:1, 0:1]
    winners = x0r >= t0
    nwin = jnp.sum(winners.astype(jnp.int32))
    fast = (nwin == kmax) & (kmax >= 20)

    def _write_cols(others_row):
        r8 = lax.broadcasted_iota(jnp.int32, (8, 128), 0)
        cols = jnp.where(r8 == 1, top,
                         jnp.where(r8 == 5,
                                   jnp.broadcast_to(others_row, (8, 128)),
                                   0))
        cols_ref[...] = cols

    @pl.when(fast)
    def _():
        m = winners
        big = jnp.float32(3e38)
        others_row = jnp.zeros((1, 128), jnp.int32)
        for i in range(20):
            vals = jnp.where(m, x0r, big)
            mnv = jnp.min(vals)
            eqm = m & (x0r == mnv)
            pick = jnp.max(jnp.where(eqm, gidx, -1))
            others_row = jnp.where(lane == 19 - i, pick, others_row)
            m = m & (gidx != pick)
        _write_cols(others_row)

    @pl.when(jnp.logical_not(fast))
    def _():
        j32 = lax.broadcasted_iota(jnp.int32, (32, 1), 0)
        start = jnp.clip(kmax - 20, 0, _E - 20)
        ranks = jnp.where(j32 == 0, 1, start + j32)
        lo2 = jnp.full((32, 1), jnp.min(x0))
        hi2 = _hi_init(jnp.full((32, 1), jnp.max(x0)))

        def body2(_, c):
            l, h = c
            mid = 0.5 * (l + h)
            cnt = jnp.sum((x0 >= mid).astype(jnp.int32), axis=1,
                          keepdims=True)
            p = cnt >= ranks
            return jnp.where(p, mid, l), jnp.where(p, h, mid)

        lo2, hi2 = lax.fori_loop(0, 52, body2, (lo2, hi2))
        cnt_gt = jnp.sum((x0 >= hi2).astype(jnp.int32), axis=1,
                         keepdims=True)
        jj = ranks - cnt_gt
        eq = (x0 >= lo2) & (x0 < hi2)
        lanes = lax.broadcasted_iota(jnp.int32, (1, _E), 1)
        loI = jnp.full((32, 1), -1, jnp.int32)
        hiI = jnp.full((32, 1), _E - 1, jnp.int32)

        def body3(_, c):
            l, h = c
            mid = l + (h - l) // 2
            cnt = jnp.sum((eq & (lanes <= mid)).astype(jnp.int32),
                          axis=1, keepdims=True)
            p = cnt >= jj
            return jnp.where(p, l, mid), jnp.where(p, mid, h)

        loI, hiI = lax.fori_loop(0, 13, body3, (loI, hiI))
        others_row = jnp.zeros((1, 128), jnp.int32)
        for j in range(20):
            others_row = jnp.where(lane == j, hiI[j + 1, 0], others_row)
        _write_cols(others_row)

    v = val_ref[...]
    dc = dc_ref[0]
    maxabs = jnp.maximum(jnp.max(jnp.abs(v)), 0.01)
    sub = dc * maxabs
    nv_ref[0:8, :] = jnp.clip(v + sub, -1.0, 0.0)
    nv_ref[8:9, :] = jnp.broadcast_to(jnp.clip(-0.01 + sub, -1.0, 0.0),
                                      (1, 128))


def kernel(tensor, sparsity, boost_percent, boost_tensor, inh_indices, inh_values):
    b, e = tensor.shape[0], tensor.shape[1]
    t2 = tensor.reshape(b, e)
    bt2 = boost_tensor.reshape(b, e)
    min_active = jnp.floor(sparsity[0] * e).astype(jnp.int32)
    max_active = jnp.ceil(sparsity[1] * e).astype(jnp.int32)
    kvals = jnp.stack([min_active, max_active])
    bp = boost_percent.reshape(1)

    smem = pl.BlockSpec(memory_space=pltpu.SMEM)
    vmem = pl.BlockSpec(memory_space=pltpu.VMEM)

    bn, bd = pl.pallas_call(
        _stage1,
        in_specs=[smem, vmem, vmem],
        out_specs=[vmem, vmem],
        out_shape=[
            jax.ShapeDtypeStruct((b, e), jnp.float32),
            jax.ShapeDtypeStruct((b, e), jnp.float32),
        ],
    )(bp, t2, bt2)

    inh_flat = _get_sc_scatter()(bd.reshape(-1), inh_indices, inh_values)
    inhibited = inh_flat.reshape(b, e)

    nnz = inh_values.shape[0]
    conn = nnz + 20
    desired = 1e15 * e
    decay_c = jnp.float32(conn ** 2 / (conn ** 2 + desired * 2)).reshape(1)

    pm, bo, cols, nv9 = pl.pallas_call(
        _stage2,
        in_specs=[smem, smem, vmem, vmem, vmem],
        out_specs=[vmem, vmem, vmem, vmem],
        out_shape=[
            jax.ShapeDtypeStruct((b, e), jnp.float32),
            jax.ShapeDtypeStruct((b, e), jnp.float32),
            jax.ShapeDtypeStruct((8, 128), jnp.int32),
            jax.ShapeDtypeStruct((9, 128), jnp.float32),
        ],
    )(kvals, decay_c, inhibited, bn, inh_values.reshape(nnz // 128, 128))

    new_idx_f = jnp.concatenate(
        [inh_indices, cols[:, :20].astype(inh_indices.dtype)], axis=1)
    new_vals_f = nv9.reshape(-1)[:nnz + 20].astype(inh_values.dtype)

    post_mask = pm.reshape(tensor.shape)
    boost_out = bo.reshape(tensor.shape)
    return (post_mask, boost_out, new_idx_f, new_vals_f)

# --- scband reference (transcript-rebuilt; emitter-appended) ---
"""Pipeline reference for scband-sparse-variational-pooler-35330400977496 (READ-ONLY COPY).

The authoritative reference and input builder live on the scoring server;
editing this copy changes nothing except your own understanding.
"""

import jax, jax.numpy as jnp
import numpy as np
import math

B, E, H, W = 32, 8192, 1, 1
NNZ = 1024
MIN_SP, MAX_SP = 0.02, 0.05


def setup_inputs(seed: int = 0) -> dict:
    key = jax.random.key(seed)
    k1, k2, k3, k4, k5, k6, k7 = jax.random.split(key, 7)
    tensor = jax.random.normal(k1, (B, E, H, W), dtype=jnp.float32)
    boost_tensor = jax.random.uniform(k2, (B, E, H, W), dtype=jnp.float32) * 0.1
    sparsity = jnp.array([MIN_SP, MAX_SP], dtype=jnp.float32)
    boost_percent = jax.random.uniform(k3, (), dtype=jnp.float32) * 0.2
    r0 = jax.random.randint(k4, (NNZ,), 0, B, dtype=jnp.int32)
    r1 = jax.random.randint(k5, (NNZ,), 0, E, dtype=jnp.int32)
    r4 = jax.random.randint(k6, (NNZ,), 0, B, dtype=jnp.int32)
    r5 = jax.random.randint(k7, (NNZ,), 0, E, dtype=jnp.int32)
    z = jnp.zeros((NNZ,), dtype=jnp.int32)
    inh_indices = jnp.stack([r0, r1, z, z, r4, r5, z, z], axis=0)
    inh_values = -jax.random.uniform(jax.random.fold_in(key, 7), (NNZ,), dtype=jnp.float32) * 0.05
    return {"tensor": tensor, "sparsity": sparsity, "boost_percent": boost_percent,
            "boost_tensor": boost_tensor, "inh_indices": inh_indices, "inh_values": inh_values}


def _percent_closeness_boost(tensor, boost_tensor, boost_percent):
    # Reconstruction of PercentClosenessBoosting: boost grows with closeness to the max.
    mx = jnp.max(tensor, axis=1, keepdims=True)
    mn = jnp.min(tensor, axis=1, keepdims=True)
    closeness = (mx - tensor) / (mx - mn + 1e-6)
    return boost_tensor + closeness * boost_percent


def reference(tensor, sparsity, boost_percent, boost_tensor, inh_indices, inh_values):
    min_active = jnp.floor(sparsity[0] * E).astype(jnp.int32)
    max_active = jnp.ceil(sparsity[1] * E).astype(jnp.int32)
    # run_boosting
    boost_new = _percent_closeness_boost(tensor, boost_tensor, boost_percent)
    tensor_above = jnp.where(tensor > 0, tensor, jnp.zeros_like(tensor))
    boosted = tensor_above + boost_new
    # apply_sparse_self_affector: tens[affectee] += tens[affector] * values
    aff = tuple(inh_indices[i] for i in range(4))
    aee = tuple(inh_indices[i] for i in range(4, 8))
    inhibited = boosted.at[aee].add(boosted[aff] * inh_values)
    # run_k_winners_positive: top max_active along dim 1, binarize positives
    srt = jnp.sort(inhibited, axis=1)
    thresh = jnp.take(srt, E - max_active, axis=1)[:, None]
    masked = jnp.where(inhibited >= thresh, inhibited, jnp.zeros_like(inhibited))
    pre_mask = (masked > 0).astype(jnp.float32)
    # choose_boosted_to_satisfy_minimum (branchless; torch branch is not taken at these scales)
    actually_active = jnp.sum(pre_mask)
    bsrt = jnp.sort(boost_new, axis=1)
    bthresh = jnp.take(bsrt, E - min_active, axis=1)[:, None]
    boost_mask = (boost_new >= bthresh).astype(jnp.float32)
    cond = actually_active < min_active
    post_mask = jnp.where(cond, jnp.maximum(pre_mask, boost_mask), pre_mask)
    # inhibition self-affector update: link top winner to the bottom-20 winners
    argsrt = jnp.argsort(-inhibited, axis=1)
    top = argsrt[0, 0, 0, 0]
    others = jax.lax.dynamic_slice(argsrt[0, :, 0, 0], (max_active - 20,), (20,))
    idt = inh_indices.dtype
    zeros20 = jnp.zeros((20,), dtype=idt)
    top20 = jnp.full((20,), top, dtype=idt)
    new_idx_cols = jnp.stack([zeros20, top20, zeros20, zeros20,
                              zeros20, others.astype(idt), zeros20, zeros20], axis=0)
    inh_idx2 = jnp.concatenate([inh_indices, new_idx_cols], axis=1)
    inh_val2 = jnp.concatenate([inh_values, jnp.full((20,), -0.01, dtype=inh_values.dtype)], axis=0)
    # decay / clamp inhibition values
    desired = 1e15 * E
    conn = inh_val2.shape[0]
    subtraction = (conn ** 2 / (conn ** 2 + desired * 2)) * jnp.max(jnp.abs(inh_val2))
    new_vals = jnp.minimum(inh_val2 + subtraction, jnp.zeros_like(inh_val2))
    new_vals = jnp.maximum(new_vals, -jnp.ones_like(new_vals))
    new_vals_f = new_vals
    new_idx_f = inh_idx2
    # zero boost where units fired
    boost_out = jnp.where(post_mask > 0, jnp.zeros_like(boost_new), boost_new)
    return (post_mask, boost_out, new_idx_f, new_vals_f)

if __name__ == "__main__":
    import jax
    _d = setup_inputs()
    print(jax.jit(kernel)(*tuple(_d.values())))

</pallas_src>

<mosaic_0001>
#map = affine_map<(d0, d1) -> (0)>
#map1 = affine_map<(d0, d1) -> (0, 0)>
module attributes {stable_mosaic.version = 14 : i64} {
  func.func @_sc_scatter_body(%arg0: i32, %arg1: i32, %arg2: memref<262144xf32, #tpu.memory_space<hbm>>, %arg3: memref<8x1024xi32, #tpu.memory_space<hbm>>, %arg4: memref<1024xf32, #tpu.memory_space<hbm>>, %arg5: memref<262144xf32, #tpu.memory_space<hbm>>, %arg6: memref<64xi32, #tpu.memory_space<vmem>>, %arg7: memref<64xi32, #tpu.memory_space<vmem>>, %arg8: memref<64xi32, #tpu.memory_space<vmem>>, %arg9: memref<64xi32, #tpu.memory_space<vmem>>, %arg10: memref<64xf32, #tpu.memory_space<vmem>>, %arg11: memref<64xf32, #tpu.memory_space<vmem>>, %arg12: memref<262144xf32, #tpu.memory_space<vmem_shared>>, %arg13: memref<!tpu.dma_semaphore, #tpu.memory_space<semaphore_mem>>, %arg14: memref<!tpu.dma_semaphore, #tpu.memory_space<semaphore_mem>>) attributes {dimension_semantics = [#tpu.dimension_semantics<core_parallel>, #tpu.dimension_semantics<subcore_parallel>], iteration_bounds = array<i64: 2, 16>, scalar_prefetch = 0 : i64, scratch_operands = 9 : i64, tpu.core_type = #tpu.core_type<sc_vector_subcore>, window_params = [{transform_indices = #map}, {transform_indices = #map1}, {transform_indices = #map}, {transform_indices = #map}]} {
    %eq3A = arith.constant 0 : i32
    %eq3A_0 = arith.cmpi eq, %arg0, %eq3A : i32
    %convert_element_type3A = arith.extui %eq3A_0 : i1 to i32
    %cond3A = arith.constant 0 : i32
    %cond3A_1 = arith.cmpi ne, %convert_element_type3A, %cond3A : i32
    scf.if %cond3A_1 {
      %mul3A = arith.constant 16384 : i32
      %mul3A_2 = arith.muli %arg1, %mul3A : i32
      %mul3A_3 = arith.constant 16384 : i32
      %mul3A_4 = arith.muli %arg1, %mul3A_3 : i32
      %dma_start3A = tpu.memref_slice %arg12[%mul3A_4] : memref<262144xf32, #tpu.memory_space<vmem_shared>> -> memref<16384xf32, #tpu.memory_space<vmem_shared>>
      %dma_start3A_5 = tpu.memref_slice %arg2[%mul3A_2] : memref<262144xf32, #tpu.memory_space<hbm>> -> memref<16384xf32, #tpu.memory_space<hbm>>
      tpu.enqueue_dma source(%dma_start3A_5 : memref<16384xf32, #tpu.memory_space<hbm>>) target(%dma_start3A : memref<16384xf32, #tpu.memory_space<vmem_shared>>) target_semaphore(%arg13 : memref<!tpu.dma_semaphore, #tpu.memory_space<semaphore_mem>>)
      %mul3A_6 = arith.constant 64 : i32
      %mul3A_7 = arith.muli %arg1, %mul3A_6 : i32
      %run_scoped3A = arith.constant 0 : i32
      "tpu.region"() ({
        %run_scoped3A_174 = tpu.sem_alloc : memref<!tpu.dma_semaphore, #tpu.memory_space<semaphore_mem>>
        %dma_start3A_175 = tpu.memref_slice %arg3[%run_scoped3A, %mul3A_7] : memref<8x1024xi32, #tpu.memory_space<hbm>> -> memref<1x64xi32, #tpu.memory_space<hbm>>
        %dma_start3A_176 = tpu.memref_squeeze %dma_start3A_175 : memref<1x64xi32, #tpu.memory_space<hbm>> -> memref<64xi32, #tpu.memory_space<hbm>>
        %dma_start3A_177 = tpu.memref_slice %arg3[%run_scoped3A, %mul3A_7] : memref<8x1024xi32, #tpu.memory_space<hbm>> -> memref<1x64xi32, #tpu.memory_space<hbm>>
        %dma_start3A_178 = tpu.memref_squeeze %dma_start3A_177 : memref<1x64xi32, #tpu.memory_space<hbm>> -> memref<64xi32, #tpu.memory_space<hbm>>
        tpu.enqueue_dma source(%dma_start3A_178 : memref<64xi32, #tpu.memory_space<hbm>>) target(%arg6 : memref<64xi32, #tpu.memory_space<vmem>>) target_semaphore(%run_scoped3A_174 : memref<!tpu.dma_semaphore, #tpu.memory_space<semaphore_mem>>)
        %dma_wait3A_179 = tpu.memref_slice %arg3[%run_scoped3A, %mul3A_7] : memref<8x1024xi32, #tpu.memory_space<hbm>> -> memref<1x64xi32, #tpu.memory_space<hbm>>
        %dma_wait3A_180 = tpu.memref_squeeze %dma_wait3A_179 : memref<1x64xi32, #tpu.memory_space<hbm>> -> memref<64xi32, #tpu.memory_space<hbm>>
        %dma_wait3A_181 = tpu.memref_slice %arg3[%run_scoped3A, %mul3A_7] : memref<8x1024xi32, #tpu.memory_space<hbm>> -> memref<1x64xi32, #tpu.memory_space<hbm>>
        %dma_wait3A_182 = tpu.memref_squeeze %dma_wait3A_181 : memref<1x64xi32, #tpu.memory_space<hbm>> -> memref<64xi32, #tpu.memory_space<hbm>>
        tpu.wait_dma2 semaphore(%run_scoped3A_174 : memref<!tpu.dma_semaphore, #tpu.memory_space<semaphore_mem>>) src(%dma_wait3A_182 : memref<64xi32, #tpu.memory_space<hbm>>) dst(%arg6 : memref<64xi32, #tpu.memory_space<vmem>>)
        tpu.yield
      }) : () -> ()
      %run_scoped3A_8 = arith.constant 1 : i32
      "tpu.region"() ({
        %run_scoped3A_174 = tpu.sem_alloc : memref<!tpu.dma_semaphore, #tpu.memory_space<semaphore_mem>>
        %dma_start3A_175 = tpu.memref_slice %arg3[%run_scoped3A_8, %mul3A_7] : memref<8x1024xi32, #tpu.memory_space<hbm>> -> memref<1x64xi32, #tpu.memory_space<hbm>>
        %dma_start3A_176 = tpu.memref_squeeze %dma_start3A_175 : memref<1x64xi32, #tpu.memory_space<hbm>> -> memref<64xi32, #tpu.memory_space<hbm>>
        %dma_start3A_177 = tpu.memref_slice %arg3[%run_scoped3A_8, %mul3A_7] : memref<8x1024xi32, #tpu.memory_space<hbm>> -> memref<1x64xi32, #tpu.memory_space<hbm>>
        %dma_start3A_178 = tpu.memref_squeeze %dma_start3A_177 : memref<1x64xi32, #tpu.memory_space<hbm>> -> memref<64xi32, #tpu.memory_space<hbm>>
        tpu.enqueue_dma source(%dma_start3A_178 : memref<64xi32, #tpu.memory_space<hbm>>) target(%arg7 : memref<64xi32, #tpu.memory_space<vmem>>) target_semaphore(%run_scoped3A_174 : memref<!tpu.dma_semaphore, #tpu.memory_space<semaphore_mem>>)
        %dma_wait3A_179 = tpu.memref_slice %arg3[%run_scoped3A_8, %mul3A_7] : memref<8x1024xi32, #tpu.memory_space<hbm>> -> memref<1x64xi32, #tpu.memory_space<hbm>>
        %dma_wait3A_180 = tpu.memref_squeeze %dma_wait3A_179 : memref<1x64xi32, #tpu.memory_space<hbm>> -> memref<64xi32, #tpu.memory_space<hbm>>
        %dma_wait3A_181 = tpu.memref_slice %arg3[%run_scoped3A_8, %mul3A_7] : memref<8x1024xi32, #tpu.memory_space<hbm>> -> memref<1x64xi32, #tpu.memory_space<hbm>>
        %dma_wait3A_182 = tpu.memref_squeeze %dma_wait3A_181 : memref<1x64xi32, #tpu.memory_space<hbm>> -> memref<64xi32, #tpu.memory_space<hbm>>
        tpu.wait_dma2 semaphore(%run_scoped3A_174 : memref<!tpu.dma_semaphore, #tpu.memory_space<semaphore_mem>>) src(%dma_wait3A_182 : memref<64xi32, #tpu.memory_space<hbm>>) dst(%arg7 : memref<64xi32, #tpu.memory_space<vmem>>)
        tpu.yield
      }) : () -> ()
      %run_scoped3A_9 = arith.constant 4 : i32
      "tpu.region"() ({
        %run_scoped3A_174 = tpu.sem_alloc : memref<!tpu.dma_semaphore, #tpu.memory_space<semaphore_mem>>
        %dma_start3A_175 = tpu.memref_slice %arg3[%run_scoped3A_9, %mul3A_7] : memref<8x1024xi32, #tpu.memory_space<hbm>> -> memref<1x64xi32, #tpu.memory_space<hbm>>
        %dma_start3A_176 = tpu.memref_squeeze %dma_start3A_175 : memref<1x64xi32, #tpu.memory_space<hbm>> -> memref<64xi32, #tpu.memory_space<hbm>>
        %dma_start3A_177 = tpu.memref_slice %arg3[%run_scoped3A_9, %mul3A_7] : memref<8x1024xi32, #tpu.memory_space<hbm>> -> memref<1x64xi32, #tpu.memory_space<hbm>>
        %dma_start3A_178 = tpu.memref_squeeze %dma_start3A_177 : memref<1x64xi32, #tpu.memory_space<hbm>> -> memref<64xi32, #tpu.memory_space<hbm>>
        tpu.enqueue_dma source(%dma_start3A_178 : memref<64xi32, #tpu.memory_space<hbm>>) target(%arg8 : memref<64xi32, #tpu.memory_space<vmem>>) target_semaphore(%run_scoped3A_174 : memref<!tpu.dma_semaphore, #tpu.memory_space<semaphore_mem>>)
        %dma_wait3A_179 = tpu.memref_slice %arg3[%run_scoped3A_9, %mul3A_7] : memref<8x1024xi32, #tpu.memory_space<hbm>> -> memref<1x64xi32, #tpu.memory_space<hbm>>
        %dma_wait3A_180 = tpu.memref_squeeze %dma_wait3A_179 : memref<1x64xi32, #tpu.memory_space<hbm>> -> memref<64xi32, #tpu.memory_space<hbm>>
        %dma_wait3A_181 = tpu.memref_slice %arg3[%run_scoped3A_9, %mul3A_7] : memref<8x1024xi32, #tpu.memory_space<hbm>> -> memref<1x64xi32, #tpu.memory_space<hbm>>
        %dma_wait3A_182 = tpu.memref_squeeze %dma_wait3A_181 : memref<1x64xi32, #tpu.memory_space<hbm>> -> memref<64xi32, #tpu.memory_space<hbm>>
        tpu.wait_dma2 semaphore(%run_scoped3A_174 : memref<!tpu.dma_semaphore, #tpu.memory_space<semaphore_mem>>) src(%dma_wait3A_182 : memref<64xi32, #tpu.memory_space<hbm>>) dst(%arg8 : memref<64xi32, #tpu.memory_space<vmem>>)
        tpu.yield
      }) : () -> ()
      %run_scoped3A_10 = arith.constant 5 : i32
      "tpu.region"() ({
        %run_scoped3A_174 = tpu.sem_alloc : memref<!tpu.dma_semaphore, #tpu.memory_space<semaphore_mem>>
        %dma_start3A_175 = tpu.memref_slice %arg3[%run_scoped3A_10, %mul3A_7] : memref<8x1024xi32, #tpu.memory_space<hbm>> -> memref<1x64xi32, #tpu.memory_space<hbm>>
        %dma_start3A_176 = tpu.memref_squeeze %dma_start3A_175 : memref<1x64xi32, #tpu.memory_space<hbm>> -> memref<64xi32, #tpu.memory_space<hbm>>
        %dma_start3A_177 = tpu.memref_slice %arg3[%run_scoped3A_10, %mul3A_7] : memref<8x1024xi32, #tpu.memory_space<hbm>> -> memref<1x64xi32, #tpu.memory_space<hbm>>
        %dma_start3A_178 = tpu.memref_squeeze %dma_start3A_177 : memref<1x64xi32, #tpu.memory_space<hbm>> -> memref<64xi32, #tpu.memory_space<hbm>>
        tpu.enqueue_dma source(%dma_start3A_178 : memref<64xi32, #tpu.memory_space<hbm>>) target(%arg9 : memref<64xi32, #tpu.memory_space<vmem>>) target_semaphore(%run_scoped3A_174 : memref<!tpu.dma_semaphore, #tpu.memory_space<semaphore_mem>>)
        %dma_wait3A_179 = tpu.memref_slice %arg3[%run_scoped3A_10, %mul3A_7] : memref<8x1024xi32, #tpu.memory_space<hbm>> -> memref<1x64xi32, #tpu.memory_space<hbm>>
        %dma_wait3A_180 = tpu.memref_squeeze %dma_wait3A_179 : memref<1x64xi32, #tpu.memory_space<hbm>> -> memref<64xi32, #tpu.memory_space<hbm>>
        %dma_wait3A_181 = tpu.memref_slice %arg3[%run_scoped3A_10, %mul3A_7] : memref<8x1024xi32, #tpu.memory_space<hbm>> -> memref<1x64xi32, #tpu.memory_space<hbm>>
        %dma_wait3A_182 = tpu.memref_squeeze %dma_wait3A_181 : memref<1x64xi32, #tpu.memory_space<hbm>> -> memref<64xi32, #tpu.memory_space<hbm>>
        tpu.wait_dma2 semaphore(%run_scoped3A_174 : memref<!tpu.dma_semaphore, #tpu.memory_space<semaphore_mem>>) src(%dma_wait3A_182 : memref<64xi32, #tpu.memory_space<hbm>>) dst(%arg9 : memref<64xi32, #tpu.memory_space<vmem>>)
        tpu.yield
      }) : () -> ()
      "tpu.region"() ({
        %run_scoped3A_174 = tpu.sem_alloc : memref<!tpu.dma_semaphore, #tpu.memory_space<semaphore_mem>>
        %dma_start3A_175 = tpu.memref_slice %arg4[%mul3A_7] : memref<1024xf32, #tpu.memory_space<hbm>> -> memref<64xf32, #tpu.memory_space<hbm>>
        %dma_start3A_176 = tpu.memref_slice %arg4[%mul3A_7] : memref<1024xf32, #tpu.memory_space<hbm>> -> memref<64xf32, #tpu.memory_space<hbm>>
        tpu.enqueue_dma source(%dma_start3A_176 : memref<64xf32, #tpu.memory_space<hbm>>) target(%arg10 : memref<64xf32, #tpu.memory_space<vmem>>) target_semaphore(%run_scoped3A_174 : memref<!tpu.dma_semaphore, #tpu.memory_space<semaphore_mem>>)
        %dma_wait3A_177 = tpu.memref_slice %arg4[%mul3A_7] : memref<1024xf32, #tpu.memory_space<hbm>> -> memref<64xf32, #tpu.memory_space<hbm>>
        %dma_wait3A_178 = tpu.memref_slice %arg4[%mul3A_7] : memref<1024xf32, #tpu.memory_space<hbm>> -> memref<64xf32, #tpu.memory_space<hbm>>
        tpu.wait_dma2 semaphore(%run_scoped3A_174 : memref<!tpu.dma_semaphore, #tpu.memory_space<semaphore_mem>>) src(%dma_wait3A_178 : memref<64xf32, #tpu.memory_space<hbm>>) dst(%arg10 : memref<64xf32, #tpu.memory_space<vmem>>)
        tpu.yield
      }) : () -> ()
      %get3A = arith.constant 0 : index
      %get3A_11 = tpu.vector_load %arg8[%get3A] {strides = array<i32>} : memref<64xi32, #tpu.memory_space<vmem>>, vector<16xi32>,
      %get3A_12 = vector.shape_cast %get3A_11 : vector<16xi32> to vector<16xi32>
      %mul3A_13 = arith.constant 8192 : i32
      %mul3A_14 = vector.broadcast %mul3A_13 : i32 to vector<16xi32>
      %mul3A_15 = arith.muli %get3A_12, %mul3A_14 : vector<16xi32>
      %get3A_16 = arith.constant 0 : index
      %get3A_17 = tpu.vector_load %arg9[%get3A_16] {strides = array<i32>} : memref<64xi32, #tpu.memory_space<vmem>>, vector<16xi32>,
      %get3A_18 = vector.shape_cast %get3A_17 : vector<16xi32> to vector<16xi32>
      %add3A = arith.addi %mul3A_15, %get3A_18 : vector<16xi32>
      %swap3A = arith.constant 0 : index
      %swap3A_19 = tpu.vector_load %arg9[%swap3A] {strides = array<i32>} : memref<64xi32, #tpu.memory_space<vmem>>, vector<16xi32>,
      %swap3A_20 = vector.shape_cast %swap3A_19 : vector<16xi32> to vector<16xi32>
      %swap3A_21 = vector.shape_cast %add3A : vector<16xi32> to vector<16xi32>
      tpu.vector_store %arg9[%swap3A], %swap3A_21 {strides = array<i32>} : memref<64xi32, #tpu.memory_space<vmem>>, vector<16xi32>,
      %get3A_22 = arith.constant 0 : index
      %get3A_23 = tpu.vector_load %arg6[%get3A_22] {strides = array<i32>} : memref<64xi32, #tpu.memory_space<vmem>>, vector<16xi32>,
      %get3A_24 = vector.shape_cast %get3A_23 : vector<16xi32> to vector<16xi32>
      %mul3A_25 = arith.constant 8192 : i32
      %mul3A_26 = vector.broadcast %mul3A_25 : i32 to vector<16xi32>
      %mul3A_27 = arith.muli %get3A_24, %mul3A_26 : vector<16xi32>
      %get3A_28 = arith.constant 0 : index
      %get3A_29 = tpu.vector_load %arg7[%get3A_28] {strides = array<i32>} : memref<64xi32, #tpu.memory_space<vmem>>, vector<16xi32>,
      %get3A_30 = vector.shape_cast %get3A_29 : vector<16xi32> to vector<16xi32>
      %add3A_31 = arith.addi %mul3A_27, %get3A_30 : vector<16xi32>
      %swap3A_32 = arith.constant 0 : index
      %swap3A_33 = tpu.vector_load %arg8[%swap3A_32] {strides = array<i32>} : memref<64xi32, #tpu.memory_space<vmem>>, vector<16xi32>,
      %swap3A_34 = vector.shape_cast %swap3A_33 : vector<16xi32> to vector<16xi32>
      %swap3A_35 = vector.shape_cast %add3A_31 : vector<16xi32> to vector<16xi32>
      tpu.vector_store %arg8[%swap3A_32], %swap3A_35 {strides = array<i32>} : memref<64xi32, #tpu.memory_space<vmem>>, vector<16xi32>,
      %get3A_36 = arith.constant 16 : index
      %get3A_37 = tpu.vector_load %arg8[%get3A_36] {strides = array<i32>} : memref<64xi32, #tpu.memory_space<vmem>>, vector<16xi32>,
      %get3A_38 = vector.shape_cast %get3A_37 : vector<16xi32> to vector<16xi32>
      %mul3A_39 = arith.constant 8192 : i32
      %mul3A_40 = vector.broadcast %mul3A_39 : i32 to vector<16xi32>
      %mul3A_41 = arith.muli %get3A_38, %mul3A_40 : vector<16xi32>
      %get3A_42 = arith.constant 16 : index
      %get3A_43 = tpu.vector_load %arg9[%get3A_42] {strides = array<i32>} : memref<64xi32, #tpu.memory_space<vmem>>, vector<16xi32>,
      %get3A_44 = vector.shape_cast %get3A_43 : vector<16xi32> to vector<16xi32>
      %add3A_45 = arith.addi %mul3A_41, %get3A_44 : vector<16xi32>
      %swap3A_46 = arith.constant 16 : index
      %swap3A_47 = tpu.vector_load %arg9[%swap3A_46] {strides = array<i32>} : memref<64xi32, #tpu.memory_space<vmem>>, vector<16xi32>,
      %swap3A_48 = vector.shape_cast %swap3A_47 : vector<16xi32> to vector<16xi32>
      %swap3A_49 = vector.shape_cast %add3A_45 : vector<16xi32> to vector<16xi32>
      tpu.vector_store %arg9[%swap3A_46], %swap3A_49 {strides = array<i32>} : memref<64xi32, #tpu.memory_space<vmem>>, vector<16xi32>,
      %get3A_50 = arith.constant 16 : index
      %get3A_51 = tpu.vector_load %arg6[%get3A_50] {strides = array<i32>} : memref<64xi32, #tpu.memory_space<vmem>>, vector<16xi32>,
      %get3A_52 = vector.shape_cast %get3A_51 : vector<16xi32> to vector<16xi32>
      %mul3A_53 = arith.constant 8192 : i32
      %mul3A_54 = vector.broadcast %mul3A_53 : i32 to vector<16xi32>
      %mul3A_55 = arith.muli %get3A_52, %mul3A_54 : vector<16xi32>
      %get3A_56 = arith.constant 16 : index
      %get3A_57 = tpu.vector_load %arg7[%get3A_56] {strides = array<i32>} : memref<64xi32, #tpu.memory_space<vmem>>, vector<16xi32>,
      %get3A_58 = vector.shape_cast %get3A_57 : vector<16xi32> to vector<16xi32>
      %add3A_59 = arith.addi %mul3A_55, %get3A_58 : vector<16xi32>
      %swap3A_60 = arith.constant 16 : index
      %swap3A_61 = tpu.vector_load %arg8[%swap3A_60] {strides = array<i32>} : memref<64xi32, #tpu.memory_space<vmem>>, vector<16xi32>,
      %swap3A_62 = vector.shape_cast %swap3A_61 : vector<16xi32> to vector<16xi32>
      %swap3A_63 = vector.shape_cast %add3A_59 : vector<16xi32> to vector<16xi32>
      tpu.vector_store %arg8[%swap3A_60], %swap3A_63 {strides = array<i32>} : memref<64xi32, #tpu.memory_space<vmem>>, vector<16xi32>,
      %get3A_64 = arith.constant 32 : index
      %get3A_65 = tpu.vector_load %arg8[%get3A_64] {strides = array<i32>} : memref<64xi32, #tpu.memory_space<vmem>>, vector<16xi32>,
      %get3A_66 = vector.shape_cast %get3A_65 : vector<16xi32> to vector<16xi32>
      %mul3A_67 = arith.constant 8192 : i32
      %mul3A_68 = vector.broadcast %mul3A_67 : i32 to vector<16xi32>
      %mul3A_69 = arith.muli %get3A_66, %mul3A_68 : vector<16xi32>
      %get3A_70 = arith.constant 32 : index
      %get3A_71 = tpu.vector_load %arg9[%get3A_70] {strides = array<i32>} : memref<64xi32, #tpu.memory_space<vmem>>, vector<16xi32>,
      %get3A_72 = vector.shape_cast %get3A_71 : vector<16xi32> to vector<16xi32>
      %add3A_73 = arith.addi %mul3A_69, %get3A_72 : vector<16xi32>
      %swap3A_74 = arith.constant 32 : index
      %swap3A_75 = tpu.vector_load %arg9[%swap3A_74] {strides = array<i32>} : memref<64xi32, #tpu.memory_space<vmem>>, vector<16xi32>,
      %swap3A_76 = vector.shape_cast %swap3A_75 : vector<16xi32> to vector<16xi32>
      %swap3A_77 = vector.shape_cast %add3A_73 : vector<16xi32> to vector<16xi32>
      tpu.vector_store %arg9[%swap3A_74], %swap3A_77 {strides = array<i32>} : memref<64xi32, #tpu.memory_space<vmem>>, vector<16xi32>,
      %get3A_78 = arith.constant 32 : index
      %get3A_79 = tpu.vector_load %arg6[%get3A_78] {strides = array<i32>} : memref<64xi32, #tpu.memory_space<vmem>>, vector<16xi32>,
      %get3A_80 = vector.shape_cast %get3A_79 : vector<16xi32> to vector<16xi32>
      %mul3A_81 = arith.constant 8192 : i32
      %mul3A_82 = vector.broadcast %mul3A_81 : i32 to vector<16xi32>
      %mul3A_83 = arith.muli %get3A_80, %mul3A_82 : vector<16xi32>
      %get3A_84 = arith.constant 32 : index
      %get3A_85 = tpu.vector_load %arg7[%get3A_84] {strides = array<i32>} : memref<64xi32, #tpu.memory_space<vmem>>, vector<16xi32>,
      %get3A_86 = vector.shape_cast %get3A_85 : vector<16xi32> to vector<16xi32>
      %add3A_87 = arith.addi %mul3A_83, %get3A_86 : vector<16xi32>
      %swap3A_88 = arith.constant 32 : index
      %swap3A_89 = tpu.vector_load %arg8[%swap3A_88] {strides = array<i32>} : memref<64xi32, #tpu.memory_space<vmem>>, vector<16xi32>,
      %swap3A_90 = vector.shape_cast %swap3A_89 : vector<16xi32> to vector<16xi32>
      %swap3A_91 = vector.shape_cast %add3A_87 : vector<16xi32> to vector<16xi32>
      tpu.vector_store %arg8[%swap3A_88], %swap3A_91 {strides = array<i32>} : memref<64xi32, #tpu.memory_space<vmem>>, vector<16xi32>,
      %get3A_92 = arith.constant 48 : index
      %get3A_93 = tpu.vector_load %arg8[%get3A_92] {strides = array<i32>} : memref<64xi32, #tpu.memory_space<vmem>>, vector<16xi32>,
      %get3A_94 = vector.shape_cast %get3A_93 : vector<16xi32> to vector<16xi32>
      %mul3A_95 = arith.constant 8192 : i32
      %mul3A_96 = vector.broadcast %mul3A_95 : i32 to vector<16xi32>
      %mul3A_97 = arith.muli %get3A_94, %mul3A_96 : vector<16xi32>
      %get3A_98 = arith.constant 48 : index
      %get3A_99 = tpu.vector_load %arg9[%get3A_98] {strides = array<i32>} : memref<64xi32, #tpu.memory_space<vmem>>, vector<16xi32>,
      %get3A_100 = vector.shape_cast %get3A_99 : vector<16xi32> to vector<16xi32>
      %add3A_101 = arith.addi %mul3A_97, %get3A_100 : vector<16xi32>
      %swap3A_102 = arith.constant 48 : index
      %swap3A_103 = tpu.vector_load %arg9[%swap3A_102] {strides = array<i32>} : memref<64xi32, #tpu.memory_space<vmem>>, vector<16xi32>,
      %swap3A_104 = vector.shape_cast %swap3A_103 : vector<16xi32> to vector<16xi32>
      %swap3A_105 = vector.shape_cast %add3A_101 : vector<16xi32> to vector<16xi32>
      tpu.vector_store %arg9[%swap3A_102], %swap3A_105 {strides = array<i32>} : memref<64xi32, #tpu.memory_space<vmem>>, vector<16xi32>,
      %get3A_106 = arith.constant 48 : index
      %get3A_107 = tpu.vector_load %arg6[%get3A_106] {strides = array<i32>} : memref<64xi32, #tpu.memory_space<vmem>>, vector<16xi32>,
      %get3A_108 = vector.shape_cast %get3A_107 : vector<16xi32> to vector<16xi32>
      %mul3A_109 = arith.constant 8192 : i32
      %mul3A_110 = vector.broadcast %mul3A_109 : i32 to vector<16xi32>
      %mul3A_111 = arith.muli %get3A_108, %mul3A_110 : vector<16xi32>
      %get3A_112 = arith.constant 48 : index
      %get3A_113 = tpu.vector_load %arg7[%get3A_112] {strides = array<i32>} : memref<64xi32, #tpu.memory_space<vmem>>, vector<16xi32>,
      %get3A_114 = vector.shape_cast %get3A_113 : vector<16xi32> to vector<16xi32>
      %add3A_115 = arith.addi %mul3A_111, %get3A_114 : vector<16xi32>
      %swap3A_116 = arith.constant 48 : index
      %swap3A_117 = tpu.vector_load %arg8[%swap3A_116] {strides = array<i32>} : memref<64xi32, #tpu.memory_space<vmem>>, vector<16xi32>,
      %swap3A_118 = vector.shape_cast %swap3A_117 : vector<16xi32> to vector<16xi32>
      %swap3A_119 = vector.shape_cast %add3A_115 : vector<16xi32> to vector<16xi32>
      tpu.vector_store %arg8[%swap3A_116], %swap3A_119 {strides = array<i32>} : memref<64xi32, #tpu.memory_space<vmem>>, vector<16xi32>,
      %dma_start3A_120 = arith.constant 0 : i32
      %dma_start3A_121 = tpu.memref_slice %arg2[%dma_start3A_120] : memref<262144xf32, #tpu.memory_space<hbm>> -> memref<262144xf32, #tpu.memory_space<hbm>>
      tpu.enqueue_indirect_dma source(%dma_start3A_121 : memref<262144xf32, #tpu.memory_space<hbm>>) target(%arg11 : memref<64xf32, #tpu.memory_space<vmem>>) offsets(%arg8 : memref<64xi32, #tpu.memory_space<vmem>>) semaphore(%arg14 : memref<!tpu.dma_semaphore, #tpu.memory_space<semaphore_mem>>)
      %dma_wait3A = arith.constant 0 : i32
      %dma_wait3A_122 = tpu.memref_slice %arg2[%dma_wait3A] : memref<262144xf32, #tpu.memory_space<hbm>> -> memref<262144xf32, #tpu.memory_space<hbm>>
      tpu.wait_indirect_dma semaphore(%arg14 : memref<!tpu.dma_semaphore, #tpu.memory_space<semaphore_mem>>) src(%dma_wait3A_122 : memref<262144xf32, #tpu.memory_space<hbm>>) dst(%arg11 : memref<64xf32, #tpu.memory_space<vmem>>)
      %get3A_123 = arith.constant 0 : index
      %get3A_124 = tpu.vector_load %arg11[%get3A_123] {strides = array<i32>} : memref<64xf32, #tpu.memory_space<vmem>>, vector<16xf32>,
      %get3A_125 = vector.shape_cast %get3A_124 : vector<16xf32> to vector<16xf32>
      %get3A_126 = arith.constant 0 : index
      %get3A_127 = tpu.vector_load %arg10[%get3A_126] {strides = array<i32>} : memref<64xf32, #tpu.memory_space<vmem>>, vector<16xf32>,
      %get3A_128 = vector.shape_cast %get3A_127 : vector<16xf32> to vector<16xf32>
      %mul3A_129 = arith.mulf %get3A_125, %get3A_128 : vector<16xf32>
      %swap3A_130 = arith.constant 0 : index
      %swap3A_131 = tpu.vector_load %arg11[%swap3A_130] {strides = array<i32>} : memref<64xf32, #tpu.memory_space<vmem>>, vector<16xf32>,
      %swap3A_132 = vector.shape_cast %swap3A_131 : vector<16xf32> to vector<16xf32>
      %swap3A_133 = vector.shape_cast %mul3A_129 : vector<16xf32> to vector<16xf32>
      tpu.vector_store %arg11[%swap3A_130], %swap3A_133 {strides = array<i32>} : memref<64xf32, #tpu.memory_space<vmem>>, vector<16xf32>,
      %get3A_134 = arith.constant 16 : index
      %get3A_135 = tpu.vector_load %arg11[%get3A_134] {strides = array<i32>} : memref<64xf32, #tpu.memory_space<vmem>>, vector<16xf32>,
      %get3A_136 = vector.shape_cast %get3A_135 : vector<16xf32> to vector<16xf32>
      %get3A_137 = arith.constant 16 : index
      %get3A_138 = tpu.vector_load %arg10[%get3A_137] {strides = array<i32>} : memref<64xf32, #tpu.memory_space<vmem>>, vector<16xf32>,
      %get3A_139 = vector.shape_cast %get3A_138 : vector<16xf32> to vector<16xf32>
      %mul3A_140 = arith.mulf %get3A_136, %get3A_139 : vector<16xf32>
      %swap3A_141 = arith.constant 16 : index
      %swap3A_142 = tpu.vector_load %arg11[%swap3A_141] {strides = array<i32>} : memref<64xf32, #tpu.memory_space<vmem>>, vector<16xf32>,
      %swap3A_143 = vector.shape_cast %swap3A_142 : vector<16xf32> to vector<16xf32>
      %swap3A_144 = vector.shape_cast %mul3A_140 : vector<16xf32> to vector<16xf32>
      tpu.vector_store %arg11[%swap3A_141], %swap3A_144 {strides = array<i32>} : memref<64xf32, #tpu.memory_space<vmem>>, vector<16xf32>,
      %get3A_145 = arith.constant 32 : index
      %get3A_146 = tpu.vector_load %arg11[%get3A_145] {strides = array<i32>} : memref<64xf32, #tpu.memory_space<vmem>>, vector<16xf32>,
      %get3A_147 = vector.shape_cast %get3A_146 : vector<16xf32> to vector<16xf32>
      %get3A_148 = arith.constant 32 : index
      %get3A_149 = tpu.vector_load %arg10[%get3A_148] {strides = array<i32>} : memref<64xf32, #tpu.memory_space<vmem>>, vector<16xf32>,
      %get3A_150 = vector.shape_cast %get3A_149 : vector<16xf32> to vector<16xf32>
      %mul3A_151 = arith.mulf %get3A_147, %get3A_150 : vector<16xf32>
      %swap3A_152 = arith.constant 32 : index
      %swap3A_153 = tpu.vector_load %arg11[%swap3A_152] {strides = array<i32>} : memref<64xf32, #tpu.memory_space<vmem>>, vector<16xf32>,
      %swap3A_154 = vector.shape_cast %swap3A_153 : vector<16xf32> to vector<16xf32>
      %swap3A_155 = vector.shape_cast %mul3A_151 : vector<16xf32> to vector<16xf32>
      tpu.vector_store %arg11[%swap3A_152], %swap3A_155 {strides = array<i32>} : memref<64xf32, #tpu.memory_space<vmem>>, vector<16xf32>,
      %get3A_156 = arith.constant 48 : index
      %get3A_157 = tpu.vector_load %arg11[%get3A_156] {strides = array<i32>} : memref<64xf32, #tpu.memory_space<vmem>>, vector<16xf32>,
      %get3A_158 = vector.shape_cast %get3A_157 : vector<16xf32> to vector<16xf32>
      %get3A_159 = arith.constant 48 : index
      %get3A_160 = tpu.vector_load %arg10[%get3A_159] {strides = array<i32>} : memref<64xf32, #tpu.memory_space<vmem>>, vector<16xf32>,
      %get3A_161 = vector.shape_cast %get3A_160 : vector<16xf32> to vector<16xf32>
      %mul3A_162 = arith.mulf %get3A_158, %get3A_161 : vector<16xf32>
      %swap3A_163 = arith.constant 48 : index
      %swap3A_164 = tpu.vector_load %arg11[%swap3A_163] {strides = array<i32>} : memref<64xf32, #tpu.memory_space<vmem>>, vector<16xf32>,
      %swap3A_165 = vector.shape_cast %swap3A_164 : vector<16xf32> to vector<16xf32>
      %swap3A_166 = vector.shape_cast %mul3A_162 : vector<16xf32> to vector<16xf32>
      tpu.vector_store %arg11[%swap3A_163], %swap3A_166 {strides = array<i32>} : memref<64xf32, #tpu.memory_space<vmem>>, vector<16xf32>,
      %dma_wait3A_167 = tpu.memref_slice %arg12[%mul3A_4] : memref<262144xf32, #tpu.memory_space<vmem_shared>> -> memref<16384xf32, #tpu.memory_space<vmem_shared>>
      %dma_wait3A_168 = tpu.memref_slice %arg2[%mul3A_2] : memref<262144xf32, #tpu.memory_space<hbm>> -> memref<16384xf32, #tpu.memory_space<hbm>>
      tpu.wait_dma2 semaphore(%arg13 : memref<!tpu.dma_semaphore, #tpu.memory_space<semaphore_mem>>) src(%dma_wait3A_168 : memref<16384xf32, #tpu.memory_space<hbm>>) dst(%dma_wait3A_167 : memref<16384xf32, #tpu.memory_space<vmem_shared>>)
      %barrier3A = arith.constant 0 : index
      tpu.barrier barrier_id(%barrier3A)
      "tpu.region"() ({
        %run_scoped3A_174 = tpu.sem_alloc : memref<!tpu.dma_semaphore, #tpu.memory_space<semaphore_mem>>
        %dma_start3A_175 = arith.constant 0 : i32
        %dma_start3A_176 = tpu.memref_slice %arg12[%dma_start3A_175] : memref<262144xf32, #tpu.memory_space<vmem_shared>> -> memref<262144xf32, #tpu.memory_space<vmem_shared>>
        tpu.enqueue_indirect_dma source(%arg11 : memref<64xf32, #tpu.memory_space<vmem>>) target(%dma_start3A_176 : memref<262144xf32, #tpu.memory_space<vmem_shared>>) offsets(%arg9 : memref<64xi32, #tpu.memory_space<vmem>>) semaphore(%run_scoped3A_174 : memref<!tpu.dma_semaphore, #tpu.memory_space<semaphore_mem>>) {add = true}
        %dma_wait3A_177 = arith.constant 0 : i32
        %dma_wait3A_178 = tpu.memref_slice %arg12[%dma_wait3A_177] : memref<262144xf32, #tpu.memory_space<vmem_shared>> -> memref<262144xf32, #tpu.memory_space<vmem_shared>>
        tpu.wait_indirect_dma semaphore(%run_scoped3A_174 : memref<!tpu.dma_semaphore, #tpu.memory_space<semaphore_mem>>) src(%arg11 : memref<64xf32, #tpu.memory_space<vmem>>) dst(%dma_wait3A_178 : memref<262144xf32, #tpu.memory_space<vmem_shared>>)
        tpu.yield
      }) : () -> ()
      %barrier3A_169 = arith.constant 0 : index
      tpu.barrier barrier_id(%barrier3A_169)
      %mul3A_170 = arith.constant 16384 : i32
      %mul3A_171 = arith.muli %arg1, %mul3A_170 : i32
      %mul3A_172 = arith.constant 16384 : i32
      %mul3A_173 = arith.muli %arg1, %mul3A_172 : i32
      "tpu.region"() ({
        %run_scoped3A_174 = tpu.sem_alloc : memref<!tpu.dma_semaphore, #tpu.memory_space<semaphore_mem>>
        %dma_start3A_175 = tpu.memref_slice %arg5[%mul3A_173] : memref<262144xf32, #tpu.memory_space<hbm>> -> memref<16384xf32, #tpu.memory_space<hbm>>
        %dma_start3A_176 = tpu.memref_slice %arg12[%mul3A_171] : memref<262144xf32, #tpu.memory_space<vmem_shared>> -> memref<16384xf32, #tpu.memory_space<vmem_shared>>
        tpu.enqueue_dma source(%dma_start3A_176 : memref<16384xf32, #tpu.memory_space<vmem_shared>>) target(%dma_start3A_175 : memref<16384xf32, #tpu.memory_space<hbm>>) target_semaphore(%run_scoped3A_174 : memref<!tpu.dma_semaphore, #tpu.memory_space<semaphore_mem>>)
        %dma_wait3A_177 = tpu.memref_slice %arg5[%mul3A_173] : memref<262144xf32, #tpu.memory_space<hbm>> -> memref<16384xf32, #tpu.memory_space<hbm>>
        %dma_wait3A_178 = tpu.memref_slice %arg12[%mul3A_171] : memref<262144xf32, #tpu.memory_space<vmem_shared>> -> memref<16384xf32, #tpu.memory_space<vmem_shared>>
        tpu.wait_dma2 semaphore(%run_scoped3A_174 : memref<!tpu.dma_semaphore, #tpu.memory_space<semaphore_mem>>) src(%dma_wait3A_178 : memref<16384xf32, #tpu.memory_space<vmem_shared>>) dst(%dma_wait3A_177 : memref<16384xf32, #tpu.memory_space<hbm>>)
        tpu.yield
      }) : () -> ()
    } else {
    }
    return
  }
}

module attributes {stable_mosaic.version = 14 : i64} {
  func.func @_stage1(%arg0: memref<1xf32, #tpu.memory_space<smem>>, %arg1: memref<32x8192xf32, #tpu.memory_space<vmem>>, %arg2: memref<32x8192xf32, #tpu.memory_space<vmem>>, %arg3: memref<32x8192xf32, #tpu.memory_space<vmem>>, %arg4: memref<32x8192xf32, #tpu.memory_space<vmem>>) attributes {dimension_semantics = [], scalar_prefetch = 0 : i64, scratch_operands = 0 : i64, tpu.core_type = #tpu.core_type<tc>} {
    %get3A = arith.constant 0 : index
    %get3A_0 = arith.constant 0 : index
    %get3A_1 = vector.load %arg1[%get3A, %get3A_0] : memref<32x8192xf32, #tpu.memory_space<vmem>>, vector<32x8192xf32>
    %get3A_2 = arith.constant 0 : index
    %get3A_3 = arith.constant 0 : index
    %get3A_4 = vector.load %arg2[%get3A_2, %get3A_3] : memref<32x8192xf32, #tpu.memory_space<vmem>>, vector<32x8192xf32>
    %get3A_5 = arith.constant 0 : index
    %get3A_6 = memref.load %arg0[%get3A_5] : memref<1xf32, #tpu.memory_space<smem>>
    %reduce_max3A = arith.constant dense<0xFF800000> : vector<32xf32>
    %reduce_max3A_7 = vector.multi_reduction <maximumf>, %get3A_1, %reduce_max3A [1] : vector<32x8192xf32> to vector<32xf32>
    %broadcast_in_dim3A = vector.shape_cast %reduce_max3A_7 : vector<32xf32> to vector<32x1xf32>
    %reduce_min3A = arith.constant dense<0x7F800000> : vector<32xf32>
    %reduce_min3A_8 = vector.multi_reduction <minimumf>, %get3A_1, %reduce_min3A [1] : vector<32x8192xf32> to vector<32xf32>
    %broadcast_in_dim3A_9 = vector.shape_cast %reduce_min3A_8 : vector<32xf32> to vector<32x1xf32>
    %sub3A = vector.broadcast %broadcast_in_dim3A : vector<32x1xf32> to vector<32x8192xf32>
    %sub3A_10 = arith.subf %sub3A, %get3A_1 : vector<32x8192xf32>
    %sub3A_11 = arith.subf %broadcast_in_dim3A, %broadcast_in_dim3A_9 : vector<32x1xf32>
    %add3A = arith.constant 9.99999997E-7 : f32
    %add3A_12 = vector.broadcast %add3A : f32 to vector<32x1xf32>
    %add3A_13 = arith.addf %sub3A_11, %add3A_12 : vector<32x1xf32>
    %div3A = vector.broadcast %add3A_13 : vector<32x1xf32> to vector<32x8192xf32>
    %div3A_14 = arith.divf %sub3A_10, %div3A : vector<32x8192xf32>
    %mul3A = vector.broadcast %get3A_6 : f32 to vector<32x8192xf32>
    %mul3A_15 = arith.mulf %div3A_14, %mul3A : vector<32x8192xf32>
    %add3A_16 = arith.addf %get3A_4, %mul3A_15 : vector<32x8192xf32>
    %swap3A = arith.constant 0 : index
    %swap3A_17 = arith.constant 0 : index
    %swap3A_18 = vector.load %arg3[%swap3A, %swap3A_17] : memref<32x8192xf32, #tpu.memory_space<vmem>>, vector<32x8192xf32>
    tpu.vector_store %arg3[%swap3A, %swap3A_17], %add3A_16 {strides = array<i32>} : memref<32x8192xf32, #tpu.memory_space<vmem>>, vector<32x8192xf32>,
    %gt3A = arith.constant 0.000000e+00 : f32
    %gt3A_19 = vector.broadcast %gt3A : f32 to vector<32x8192xf32>
    %gt3A_20 = arith.cmpf ogt, %get3A_1, %gt3A_19 : vector<32x8192xf32>
    %jit3A = arith.constant 0.000000e+00 : f32
    %broadcast_in_dim3A_21 = vector.broadcast %jit3A : f32 to vector<32x8192xf32>
    %select_n3A = arith.select %gt3A_20, %get3A_1, %broadcast_in_dim3A_21 : vector<32x8192xi1>, vector<32x8192xf32>
    %add3A_22 = arith.addf %select_n3A, %add3A_16 : vector<32x8192xf32>
    %swap3A_23 = arith.constant 0 : index
    %swap3A_24 = arith.constant 0 : index
    %swap3A_25 = vector.load %arg4[%swap3A_23, %swap3A_24] : memref<32x8192xf32, #tpu.memory_space<vmem>>, vector<32x8192xf32>
    tpu.vector_store %arg4[%swap3A_23, %swap3A_24], %add3A_22 {strides = array<i32>} : memref<32x8192xf32, #tpu.memory_space<vmem>>, vector<32x8192xf32>,
    return
  }
}

module attributes {stable_mosaic.version = 14 : i64} {
  func.func @_stage2(%arg0: memref<2xi32, #tpu.memory_space<smem>>, %arg1: memref<1xf32, #tpu.memory_space<smem>>, %arg2: memref<32x8192xf32, #tpu.memory_space<vmem>>, %arg3: memref<32x8192xf32, #tpu.memory_space<vmem>>, %arg4: memref<8x128xf32, #tpu.memory_space<vmem>>, %arg5: memref<32x8192xf32, #tpu.memory_space<vmem>>, %arg6: memref<32x8192xf32, #tpu.memory_space<vmem>>, %arg7: memref<8x128xi32, #tpu.memory_space<vmem>>, %arg8: memref<9x128xf32, #tpu.memory_space<vmem>>) attributes {dimension_semantics = [], scalar_prefetch = 0 : i64, scratch_operands = 0 : i64, tpu.core_type = #tpu.core_type<tc>} {
    %get3A = arith.constant 0 : index
    %get3A_0 = memref.load %arg0[%get3A] : memref<2xi32, #tpu.memory_space<smem>>
    %get3A_1 = arith.constant 1 : index
    %get3A_2 = memref.load %arg0[%get3A_1] : memref<2xi32, #tpu.memory_space<smem>>
    %get3A_3 = arith.constant 0 : index
    %get3A_4 = arith.constant 0 : index
    %get3A_5 = vector.load %arg2[%get3A_3, %get3A_4] : memref<32x8192xf32, #tpu.memory_space<vmem>>, vector<32x8192xf32>
    %get3A_6 = arith.constant 0 : index
    %get3A_7 = arith.constant 0 : index
    %get3A_8 = vector.load %arg3[%get3A_6, %get3A_7] : memref<32x8192xf32, #tpu.memory_space<vmem>>, vector<32x8192xf32>
    %reduce_min3A = arith.constant dense<0x7F800000> : vector<32xf32>
    %reduce_min3A_9 = vector.multi_reduction <minimumf>, %get3A_5, %reduce_min3A [1] : vector<32x8192xf32> to vector<32xf32>
    %broadcast_in_dim3A = vector.shape_cast %reduce_min3A_9 : vector<32xf32> to vector<32x1xf32>
    %reduce_max3A = arith.constant dense<0xFF800000> : vector<32xf32>
    %reduce_max3A_10 = vector.multi_reduction <maximumf>, %get3A_5, %reduce_max3A [1] : vector<32x8192xf32> to vector<32xf32>
    %broadcast_in_dim3A_11 = vector.shape_cast %reduce_max3A_10 : vector<32xf32> to vector<32x1xf32>
    %abs3A = math.absf %broadcast_in_dim3A_11 : vector<32x1xf32>
    %mul3A = arith.constant 9.99999997E-7 : f32
    %mul3A_12 = vector.broadcast %mul3A : f32 to vector<32x1xf32>
    %mul3A_13 = arith.mulf %abs3A, %mul3A_12 : vector<32x1xf32>
    %add3A = arith.addf %broadcast_in_dim3A_11, %mul3A_13 : vector<32x1xf32>
    %add3A_14 = arith.constant 1.000000e-30 : f32
    %add3A_15 = vector.broadcast %add3A_14 : f32 to vector<32x1xf32>
    %add3A_16 = arith.addf %add3A, %add3A_15 : vector<32x1xf32>
    %scan3A = arith.constant 0 : i32
    %scan3A_17 = arith.constant 32 : i32
    %scan3A_18 = arith.addi %scan3A, %scan3A_17 : i32
    %scan3A_19 = arith.constant 1 : i32
    %scan3A_20:2 = scf.for %scan3A_114 = %scan3A to %scan3A_18 step %scan3A_19 iter_args(%scan3A_115 = %broadcast_in_dim3A, %scan3A_116 = %add3A_16) -> (vector<32x1xf32>, vector<32x1xf32>)  : i32 {
      %add3A_117 = arith.addf %scan3A_115, %scan3A_116 : vector<32x1xf32>
      %mul3A_118 = arith.constant 5.000000e-01 : f32
      %mul3A_119 = vector.broadcast %mul3A_118 : f32 to vector<32x1xf32>
      %mul3A_120 = arith.mulf %mul3A_119, %add3A_117 : vector<32x1xf32>
      %ge3A_121 = vector.broadcast %mul3A_120 : vector<32x1xf32> to vector<32x8192xf32>
      %ge3A_122 = arith.cmpf oge, %get3A_5, %ge3A_121 : vector<32x8192xf32>
      %convert_element_type3A_123 = arith.extui %ge3A_122 : vector<32x8192xi1> to vector<32x8192xi32>
      %reduce_sum3A_124 = arith.constant dense<0> : vector<32xi32>
      %reduce_sum3A_125 = vector.multi_reduction <add>, %convert_element_type3A_123, %reduce_sum3A_124 [1] : vector<32x8192xi32> to vector<32xi32>
      %broadcast_in_dim3A_126 = vector.shape_cast %reduce_sum3A_125 : vector<32xi32> to vector<32x1xi32>
      %ge3A_127 = vector.broadcast %get3A_2 : i32 to vector<32x1xi32>
      %ge3A_128 = arith.cmpi sge, %broadcast_in_dim3A_126, %ge3A_127 : vector<32x1xi32>
      %select_n3A_129 = arith.select %ge3A_128, %mul3A_120, %scan3A_115 : vector<32x1xi1>, vector<32x1xf32>
      %select_n3A_130 = arith.select %ge3A_128, %scan3A_116, %mul3A_120 : vector<32x1xi1>, vector<32x1xf32>
      scf.yield %select_n3A_129, %select_n3A_130 : vector<32x1xf32>, vector<32x1xf32>
    }
    %ge3A = vector.broadcast %scan3A_20#0 : vector<32x1xf32> to vector<32x8192xf32>
    %ge3A_21 = arith.cmpf oge, %get3A_5, %ge3A : vector<32x8192xf32>
    %gt3A = arith.constant 0.000000e+00 : f32
    %gt3A_22 = vector.broadcast %gt3A : f32 to vector<32x8192xf32>
    %gt3A_23 = arith.cmpf ogt, %get3A_5, %gt3A_22 : vector<32x8192xf32>
    %and3A = arith.andi %ge3A_21, %gt3A_23 : vector<32x8192xi1>
    %convert_element_type3A = arith.extui %and3A : vector<32x8192xi1> to vector<32x8192xi32>
    %convert_element_type3A_24 = arith.sitofp %convert_element_type3A : vector<32x8192xi32> to vector<32x8192xf32>
    %reduce_sum3A = vector.shape_cast %convert_element_type3A_24 : vector<32x8192xf32> to vector<1x32x8192xf32>
    %reduce_sum3A_25 = arith.constant dense<0.000000e+00> : vector<1xf32>
    %reduce_sum3A_26 = vector.multi_reduction <add>, %reduce_sum3A, %reduce_sum3A_25 [1, 2] : vector<1x32x8192xf32> to vector<1xf32>
    %reduce_sum3A_27 = vector.shape_cast %reduce_sum3A_26 : vector<1xf32> to vector<1x1x1xf32>
    %reduce_sum3A_28 = vector.extract %reduce_sum3A_27[0, 0, 0] : f32 from vector<1x1x1xf32>
    %swap3A = arith.constant 0 : index
    %swap3A_29 = arith.constant 0 : index
    %swap3A_30 = vector.load %arg5[%swap3A, %swap3A_29] : memref<32x8192xf32, #tpu.memory_space<vmem>>, vector<32x8192xf32>
    tpu.vector_store %arg5[%swap3A, %swap3A_29], %convert_element_type3A_24 {strides = array<i32>} : memref<32x8192xf32, #tpu.memory_space<vmem>>, vector<32x8192xf32>,
    %gt3A_31 = arith.constant 0.000000e+00 : f32
    %gt3A_32 = vector.broadcast %gt3A_31 : f32 to vector<32x8192xf32>
    %gt3A_33 = arith.cmpf ogt, %convert_element_type3A_24, %gt3A_32 : vector<32x8192xf32>
    %jit3A = arith.constant 0.000000e+00 : f32
    %broadcast_in_dim3A_34 = vector.broadcast %jit3A : f32 to vector<32x8192xf32>
    %select_n3A = arith.select %gt3A_33, %broadcast_in_dim3A_34, %get3A_8 : vector<32x8192xi1>, vector<32x8192xf32>
    %swap3A_35 = arith.constant 0 : index
    %swap3A_36 = arith.constant 0 : index
    %swap3A_37 = vector.load %arg6[%swap3A_35, %swap3A_36] : memref<32x8192xf32, #tpu.memory_space<vmem>>, vector<32x8192xf32>
    tpu.vector_store %arg6[%swap3A_35, %swap3A_36], %select_n3A {strides = array<i32>} : memref<32x8192xf32, #tpu.memory_space<vmem>>, vector<32x8192xf32>,
    %convert_element_type3A_38 = arith.sitofp %get3A_0 : i32 to f32
    %lt3A = arith.cmpf olt, %reduce_sum3A_28, %convert_element_type3A_38 : f32
    %convert_element_type3A_39 = arith.extui %lt3A : i1 to i32
    %cond3A = arith.constant 0 : i32
    %cond3A_40 = arith.cmpi ne, %convert_element_type3A_39, %cond3A : i32
    scf.if %cond3A_40 {
      %reduce_min3A_114 = arith.constant dense<0x7F800000> : vector<32xf32>
      %reduce_min3A_115 = vector.multi_reduction <minimumf>, %get3A_8, %reduce_min3A_114 [1] : vector<32x8192xf32> to vector<32xf32>
      %broadcast_in_dim3A_116 = vector.shape_cast %reduce_min3A_115 : vector<32xf32> to vector<32x1xf32>
      %reduce_max3A_117 = arith.constant dense<0xFF800000> : vector<32xf32>
      %reduce_max3A_118 = vector.multi_reduction <maximumf>, %get3A_8, %reduce_max3A_117 [1] : vector<32x8192xf32> to vector<32xf32>
      %broadcast_in_dim3A_119 = vector.shape_cast %reduce_max3A_118 : vector<32xf32> to vector<32x1xf32>
      %abs3A_120 = math.absf %broadcast_in_dim3A_119 : vector<32x1xf32>
      %mul3A_121 = arith.constant 9.99999997E-7 : f32
      %mul3A_122 = vector.broadcast %mul3A_121 : f32 to vector<32x1xf32>
      %mul3A_123 = arith.mulf %abs3A_120, %mul3A_122 : vector<32x1xf32>
      %add3A_124 = arith.addf %broadcast_in_dim3A_119, %mul3A_123 : vector<32x1xf32>
      %add3A_125 = arith.constant 1.000000e-30 : f32
      %add3A_126 = vector.broadcast %add3A_125 : f32 to vector<32x1xf32>
      %add3A_127 = arith.addf %add3A_124, %add3A_126 : vector<32x1xf32>
      %scan3A_128 = arith.constant 0 : i32
      %scan3A_129 = arith.constant 32 : i32
      %scan3A_130 = arith.addi %scan3A_128, %scan3A_129 : i32
      %scan3A_131 = arith.constant 1 : i32
      %scan3A_132:2 = scf.for %scan3A_150 = %scan3A_128 to %scan3A_130 step %scan3A_131 iter_args(%scan3A_151 = %broadcast_in_dim3A_116, %scan3A_152 = %add3A_127) -> (vector<32x1xf32>, vector<32x1xf32>)  : i32 {
        %add3A_153 = arith.addf %scan3A_151, %scan3A_152 : vector<32x1xf32>
        %mul3A_154 = arith.constant 5.000000e-01 : f32
        %mul3A_155 = vector.broadcast %mul3A_154 : f32 to vector<32x1xf32>
        %mul3A_156 = arith.mulf %mul3A_155, %add3A_153 : vector<32x1xf32>
        %ge3A_157 = vector.broadcast %mul3A_156 : vector<32x1xf32> to vector<32x8192xf32>
        %ge3A_158 = arith.cmpf oge, %get3A_8, %ge3A_157 : vector<32x8192xf32>
        %convert_element_type3A_159 = arith.extui %ge3A_158 : vector<32x8192xi1> to vector<32x8192xi32>
        %reduce_sum3A_160 = arith.constant dense<0> : vector<32xi32>
        %reduce_sum3A_161 = vector.multi_reduction <add>, %convert_element_type3A_159, %reduce_sum3A_160 [1] : vector<32x8192xi32> to vector<32xi32>
        %broadcast_in_dim3A_162 = vector.shape_cast %reduce_sum3A_161 : vector<32xi32> to vector<32x1xi32>
        %ge3A_163 = vector.broadcast %get3A_0 : i32 to vector<32x1xi32>
        %ge3A_164 = arith.cmpi sge, %broadcast_in_dim3A_162, %ge3A_163 : vector<32x1xi32>
        %select_n3A_165 = arith.select %ge3A_164, %mul3A_156, %scan3A_151 : vector<32x1xi1>, vector<32x1xf32>
        %select_n3A_166 = arith.select %ge3A_164, %scan3A_152, %mul3A_156 : vector<32x1xi1>, vector<32x1xf32>
        scf.yield %select_n3A_165, %select_n3A_166 : vector<32x1xf32>, vector<32x1xf32>
      }
      %ge3A_133 = vector.broadcast %scan3A_132#0 : vector<32x1xf32> to vector<32x8192xf32>
      %ge3A_134 = arith.cmpf oge, %get3A_8, %ge3A_133 : vector<32x8192xf32>
      %convert_element_type3A_135 = arith.extui %ge3A_134 : vector<32x8192xi1> to vector<32x8192xi32>
      %convert_element_type3A_136 = arith.sitofp %convert_element_type3A_135 : vector<32x8192xi32> to vector<32x8192xf32>
      %max3A_137 = arith.maximumf %convert_element_type3A_24, %convert_element_type3A_136 : vector<32x8192xf32>
      %swap3A_138 = arith.constant 0 : index
      %swap3A_139 = arith.constant 0 : index
      %swap3A_140 = vector.load %arg5[%swap3A_138, %swap3A_139] : memref<32x8192xf32, #tpu.memory_space<vmem>>, vector<32x8192xf32>
      tpu.vector_store %arg5[%swap3A_138, %swap3A_139], %max3A_137 {strides = array<i32>} : memref<32x8192xf32, #tpu.memory_space<vmem>>, vector<32x8192xf32>,
      %gt3A_141 = arith.constant 0.000000e+00 : f32
      %gt3A_142 = vector.broadcast %gt3A_141 : f32 to vector<32x8192xf32>
      %gt3A_143 = arith.cmpf ogt, %max3A_137, %gt3A_142 : vector<32x8192xf32>
      %jit3A_144 = arith.constant 0.000000e+00 : f32
      %broadcast_in_dim3A_145 = vector.broadcast %jit3A_144 : f32 to vector<32x8192xf32>
      %select_n3A_146 = arith.select %gt3A_143, %broadcast_in_dim3A_145, %get3A_8 : vector<32x8192xi1>, vector<32x8192xf32>
      %swap3A_147 = arith.constant 0 : index
      %swap3A_148 = arith.constant 0 : index
      %swap3A_149 = vector.load %arg6[%swap3A_147, %swap3A_148] : memref<32x8192xf32, #tpu.memory_space<vmem>>, vector<32x8192xf32>
      tpu.vector_store %arg6[%swap3A_147, %swap3A_148], %select_n3A_146 {strides = array<i32>} : memref<32x8192xf32, #tpu.memory_space<vmem>>, vector<32x8192xf32>,
    } else {
    }
    %slice3A = vector.extract_strided_slice %get3A_5 {offsets = [0, 0], sizes = [1, 8192], strides = [1, 1]} : vector<32x8192xf32> to vector<1x8192xf32>
    %reshape3A = vector.shape_cast %slice3A : vector<1x8192xf32> to vector<64x128xf32>
    %iota3A = tpu.iota {dimensions = array<i32: 0>} : vector<64x128xi32>
    %mul3A_41 = arith.constant 128 : i32
    %mul3A_42 = vector.broadcast %mul3A_41 : i32 to vector<64x128xi32>
    %mul3A_43 = arith.muli %iota3A, %mul3A_42 : vector<64x128xi32>
    %iota3A_44 = tpu.iota {dimensions = array<i32: 1>} : vector<64x128xi32>
    %add3A_45 = arith.addi %mul3A_43, %iota3A_44 : vector<64x128xi32>
    %reduce_max3A_46 = vector.shape_cast %reshape3A : vector<64x128xf32> to vector<1x64x128xf32>
    %reduce_max3A_47 = arith.constant dense<0xFF800000> : vector<1xf32>
    %reduce_max3A_48 = vector.multi_reduction <maximumf>, %reduce_max3A_46, %reduce_max3A_47 [1, 2] : vector<1x64x128xf32> to vector<1xf32>
    %reduce_max3A_49 = vector.shape_cast %reduce_max3A_48 : vector<1xf32> to vector<1x1x1xf32>
    %reduce_max3A_50 = vector.extract %reduce_max3A_49[0, 0, 0] : f32 from vector<1x1x1xf32>
    %eq3A = vector.broadcast %reduce_max3A_50 : f32 to vector<64x128xf32>
    %eq3A_51 = arith.cmpf oeq, %reshape3A, %eq3A : vector<64x128xf32>
    %jit3A_52 = arith.constant 8192 : i32
    %broadcast_in_dim3A_53 = vector.broadcast %jit3A_52 : i32 to vector<64x128xi32>
    %select_n3A_54 = arith.select %eq3A_51, %add3A_45, %broadcast_in_dim3A_53 : vector<64x128xi1>, vector<64x128xi32>
    %reduce_min3A_55 = vector.shape_cast %select_n3A_54 : vector<64x128xi32> to vector<1x64x128xi32>
    %reduce_min3A_56 = arith.constant dense<2147483647> : vector<1xi32>
    %reduce_min3A_57 = vector.multi_reduction <minsi>, %reduce_min3A_55, %reduce_min3A_56 [1, 2] : vector<1x64x128xi32> to vector<1xi32>
    %reduce_min3A_58 = vector.shape_cast %reduce_min3A_57 : vector<1xi32> to vector<1x1x1xi32>
    %reduce_min3A_59 = vector.extract %reduce_min3A_58[0, 0, 0] : i32 from vector<1x1x1xi32>
    %iota3A_60 = tpu.iota {dimensions = array<i32: 1>} : vector<1x128xi32>
    %slice3A_61 = vector.extract_strided_slice %scan3A_20#0 {offsets = [0, 0], sizes = [1, 1], strides = [1, 1]} : vector<32x1xf32> to vector<1x1xf32>
    %ge3A_62 = vector.broadcast %slice3A_61 : vector<1x1xf32> to vector<64x128xf32>
    %ge3A_63 = arith.cmpf oge, %reshape3A, %ge3A_62 : vector<64x128xf32>
    %convert_element_type3A_64 = arith.extui %ge3A_63 : vector<64x128xi1> to vector<64x128xi32>
    %reduce_sum3A_65 = vector.shape_cast %convert_element_type3A_64 : vector<64x128xi32> to vector<1x64x128xi32>
    %reduce_sum3A_66 = arith.constant dense<0> : vector<1xi32>
    %reduce_sum3A_67 = vector.multi_reduction <add>, %reduce_sum3A_65, %reduce_sum3A_66 [1, 2] : vector<1x64x128xi32> to vector<1xi32>
    %reduce_sum3A_68 = vector.shape_cast %reduce_sum3A_67 : vector<1xi32> to vector<1x1x1xi32>
    %reduce_sum3A_69 = vector.extract %reduce_sum3A_68[0, 0, 0] : i32 from vector<1x1x1xi32>
    %eq3A_70 = arith.cmpi eq, %reduce_sum3A_69, %get3A_2 : i32
    %ge3A_71 = arith.constant 20 : i32
    %ge3A_72 = arith.cmpi sge, %get3A_2, %ge3A_71 : i32
    %and3A_73 = arith.andi %eq3A_70, %ge3A_72 : i1
    %convert_element_type3A_74 = arith.extui %and3A_73 : i1 to i32
    %cond3A_75 = arith.constant 0 : i32
    %cond3A_76 = arith.cmpi ne, %convert_element_type3A_74, %cond3A_75 : i32
    scf.if %cond3A_76 {
      %broadcast_in_dim3A_114 = arith.constant 0 : i32
      %broadcast_in_dim3A_115 = vector.broadcast %broadcast_in_dim3A_114 : i32 to vector<1x128xi32>
      %jit3A_116 = arith.constant 3.000000e+38 : f32
      %broadcast_in_dim3A_117 = vector.broadcast %jit3A_116 : f32 to vector<64x128xf32>
      %select_n3A_118 = arith.select %ge3A_63, %reshape3A, %broadcast_in_dim3A_117 : vector<64x128xi1>, vector<64x128xf32>
      %reduce_min3A_119 = vector.shape_cast %select_n3A_118 : vector<64x128xf32> to vector<1x64x128xf32>
      %reduce_min3A_120 = arith.constant dense<0x7F800000> : vector<1xf32>
      %reduce_min3A_121 = vector.multi_reduction <minimumf>, %reduce_min3A_119, %reduce_min3A_120 [1, 2] : vector<1x64x128xf32> to vector<1xf32>
      %reduce_min3A_122 = vector.shape_cast %reduce_min3A_121 : vector<1xf32> to vector<1x1x1xf32>
      %reduce_min3A_123 = vector.extract %reduce_min3A_122[0, 0, 0] : f32 from vector<1x1x1xf32>
      %eq3A_124 = vector.broadcast %reduce_min3A_123 : f32 to vector<64x128xf32>
      %eq3A_125 = arith.cmpf oeq, %reshape3A, %eq3A_124 : vector<64x128xf32>
      %and3A_126 = arith.andi %ge3A_63, %eq3A_125 : vector<64x128xi1>
      %jit3A_127 = arith.constant -1 : i32
      %broadcast_in_dim3A_128 = vector.broadcast %jit3A_127 : i32 to vector<64x128xi32>
      %select_n3A_129 = arith.select %and3A_126, %add3A_45, %broadcast_in_dim3A_128 : vector<64x128xi1>, vector<64x128xi32>
      %reduce_max3A_130 = vector.shape_cast %select_n3A_129 : vector<64x128xi32> to vector<1x64x128xi32>
      %reduce_max3A_131 = arith.constant dense<-2147483648> : vector<1xi32>
      %reduce_max3A_132 = vector.multi_reduction <maxsi>, %reduce_max3A_130, %reduce_max3A_131 [1, 2] : vector<1x64x128xi32> to vector<1xi32>
      %reduce_max3A_133 = vector.shape_cast %reduce_max3A_132 : vector<1xi32> to vector<1x1x1xi32>
      %reduce_max3A_134 = vector.extract %reduce_max3A_133[0, 0, 0] : i32 from vector<1x1x1xi32>
      %eq3A_135 = arith.constant 19 : i32
      %eq3A_136 = vector.broadcast %eq3A_135 : i32 to vector<1x128xi32>
      %eq3A_137 = arith.cmpi eq, %iota3A_60, %eq3A_136 : vector<1x128xi32>
      %broadcast_in_dim3A_138 = vector.broadcast %reduce_max3A_134 : i32 to vector<1x128xi32>
      %select_n3A_139 = arith.select %eq3A_137, %broadcast_in_dim3A_138, %broadcast_in_dim3A_115 : vector<1x128xi1>, vector<1x128xi32>
      %ne3A = vector.broadcast %reduce_max3A_134 : i32 to vector<64x128xi32>
      %ne3A_140 = arith.cmpi ne, %add3A_45, %ne3A : vector<64x128xi32>
      %and3A_141 = arith.andi %ge3A_63, %ne3A_140 : vector<64x128xi1>
      %jit3A_142 = arith.constant 3.000000e+38 : f32
      %broadcast_in_dim3A_143 = vector.broadcast %jit3A_142 : f32 to vector<64x128xf32>
      %select_n3A_144 = arith.select %and3A_141, %reshape3A, %broadcast_in_dim3A_143 : vector<64x128xi1>, vector<64x128xf32>
      %reduce_min3A_145 = vector.shape_cast %select_n3A_144 : vector<64x128xf32> to vector<1x64x128xf32>
      %reduce_min3A_146 = arith.constant dense<0x7F800000> : vector<1xf32>
      %reduce_min3A_147 = vector.multi_reduction <minimumf>, %reduce_min3A_145, %reduce_min3A_146 [1, 2] : vector<1x64x128xf32> to vector<1xf32>
      %reduce_min3A_148 = vector.shape_cast %reduce_min3A_147 : vector<1xf32> to vector<1x1x1xf32>
      %reduce_min3A_149 = vector.extract %reduce_min3A_148[0, 0, 0] : f32 from vector<1x1x1xf32>
      %eq3A_150 = vector.broadcast %reduce_min3A_149 : f32 to vector<64x128xf32>
      %eq3A_151 = arith.cmpf oeq, %reshape3A, %eq3A_150 : vector<64x128xf32>
      %and3A_152 = arith.andi %and3A_141, %eq3A_151 : vector<64x128xi1>
      %jit3A_153 = arith.constant -1 : i32
      %broadcast_in_dim3A_154 = vector.broadcast %jit3A_153 : i32 to vector<64x128xi32>
      %select_n3A_155 = arith.select %and3A_152, %add3A_45, %broadcast_in_dim3A_154 : vector<64x128xi1>, vector<64x128xi32>
      %reduce_max3A_156 = vector.shape_cast %select_n3A_155 : vector<64x128xi32> to vector<1x64x128xi32>
      %reduce_max3A_157 = arith.constant dense<-2147483648> : vector<1xi32>
      %reduce_max3A_158 = vector.multi_reduction <maxsi>, %reduce_max3A_156, %reduce_max3A_157 [1, 2] : vector<1x64x128xi32> to vector<1xi32>
      %reduce_max3A_159 = vector.shape_cast %reduce_max3A_158 : vector<1xi32> to vector<1x1x1xi32>
      %reduce_max3A_160 = vector.extract %reduce_max3A_159[0, 0, 0] : i32 from vector<1x1x1xi32>
      %eq3A_161 = arith.constant 18 : i32
      %eq3A_162 = vector.broadcast %eq3A_161 : i32 to vector<1x128xi32>
      %eq3A_163 = arith.cmpi eq, %iota3A_60, %eq3A_162 : vector<1x128xi32>
      %broadcast_in_dim3A_164 = vector.broadcast %reduce_max3A_160 : i32 to vector<1x128xi32>
      %select_n3A_165 = arith.select %eq3A_163, %broadcast_in_dim3A_164, %select_n3A_139 : vector<1x128xi1>, vector<1x128xi32>
      %ne3A_166 = vector.broadcast %reduce_max3A_160 : i32 to vector<64x128xi32>
      %ne3A_167 = arith.cmpi ne, %add3A_45, %ne3A_166 : vector<64x128xi32>
      %and3A_168 = arith.andi %and3A_141, %ne3A_167 : vector<64x128xi1>
      %jit3A_169 = arith.constant 3.000000e+38 : f32
      %broadcast_in_dim3A_170 = vector.broadcast %jit3A_169 : f32 to vector<64x128xf32>
      %select_n3A_171 = arith.select %and3A_168, %reshape3A, %broadcast_in_dim3A_170 : vector<64x128xi1>, vector<64x128xf32>
      %reduce_min3A_172 = vector.shape_cast %select_n3A_171 : vector<64x128xf32> to vector<1x64x128xf32>
      %reduce_min3A_173 = arith.constant dense<0x7F800000> : vector<1xf32>
      %reduce_min3A_174 = vector.multi_reduction <minimumf>, %reduce_min3A_172, %reduce_min3A_173 [1, 2] : vector<1x64x128xf32> to vector<1xf32>
      %reduce_min3A_175 = vector.shape_cast %reduce_min3A_174 : vector<1xf32> to vector<1x1x1xf32>
      %reduce_min3A_176 = vector.extract %reduce_min3A_175[0, 0, 0] : f32 from vector<1x1x1xf32>
      %eq3A_177 = vector.broadcast %reduce_min3A_176 : f32 to vector<64x128xf32>
      %eq3A_178 = arith.cmpf oeq, %reshape3A, %eq3A_177 : vector<64x128xf32>
      %and3A_179 = arith.andi %and3A_168, %eq3A_178 : vector<64x128xi1>
      %jit3A_180 = arith.constant -1 : i32
      %broadcast_in_dim3A_181 = vector.broadcast %jit3A_180 : i32 to vector<64x128xi32>
      %select_n3A_182 = arith.select %and3A_179, %add3A_45, %broadcast_in_dim3A_181 : vector<64x128xi1>, vector<64x128xi32>
      %reduce_max3A_183 = vector.shape_cast %select_n3A_182 : vector<64x128xi32> to vector<1x64x128xi32>
      %reduce_max3A_184 = arith.constant dense<-2147483648> : vector<1xi32>
      %reduce_max3A_185 = vector.multi_reduction <maxsi>, %reduce_max3A_183, %reduce_max3A_184 [1, 2] : vector<1x64x128xi32> to vector<1xi32>
      %reduce_max3A_186 = vector.shape_cast %reduce_max3A_185 : vector<1xi32> to vector<1x1x1xi32>
      %reduce_max3A_187 = vector.extract %reduce_max3A_186[0, 0, 0] : i32 from vector<1x1x1xi32>
      %eq3A_188 = arith.constant 17 : i32
      %eq3A_189 = vector.broadcast %eq3A_188 : i32 to vector<1x128xi32>
      %eq3A_190 = arith.cmpi eq, %iota3A_60, %eq3A_189 : vector<1x128xi32>
      %broadcast_in_dim3A_191 = vector.broadcast %reduce_max3A_187 : i32 to vector<1x128xi32>
      %select_n3A_192 = arith.select %eq3A_190, %broadcast_in_dim3A_191, %select_n3A_165 : vector<1x128xi1>, vector<1x128xi32>
      %ne3A_193 = vector.broadcast %reduce_max3A_187 : i32 to vector<64x128xi32>
      %ne3A_194 = arith.cmpi ne, %add3A_45, %ne3A_193 : vector<64x128xi32>
      %and3A_195 = arith.andi %and3A_168, %ne3A_194 : vector<64x128xi1>
      %jit3A_196 = arith.constant 3.000000e+38 : f32
      %broadcast_in_dim3A_197 = vector.broadcast %jit3A_196 : f32 to vector<64x128xf32>
      %select_n3A_198 = arith.select %and3A_195, %reshape3A, %broadcast_in_dim3A_197 : vector<64x128xi1>, vector<64x128xf32>
      %reduce_min3A_199 = vector.shape_cast %select_n3A_198 : vector<64x128xf32> to vector<1x64x128xf32>
      %reduce_min3A_200 = arith.constant dense<0x7F800000> : vector<1xf32>
      %reduce_min3A_201 = vector.multi_reduction <minimumf>, %reduce_min3A_199, %reduce_min3A_200 [1, 2] : vector<1x64x128xf32> to vector<1xf32>
      %reduce_min3A_202 = vector.shape_cast %reduce_min3A_201 : vector<1xf32> to vector<1x1x1xf32>
      %reduce_min3A_203 = vector.extract %reduce_min3A_202[0, 0, 0] : f32 from vector<1x1x1xf32>
      %eq3A_204 = vector.broadcast %reduce_min3A_203 : f32 to vector<64x128xf32>
      %eq3A_205 = arith.cmpf oeq, %reshape3A, %eq3A_204 : vector<64x128xf32>
      %and3A_206 = arith.andi %and3A_195, %eq3A_205 : vector<64x128xi1>
      %jit3A_207 = arith.constant -1 : i32
      %broadcast_in_dim3A_208 = vector.broadcast %jit3A_207 : i32 to vector<64x128xi32>
      %select_n3A_209 = arith.select %and3A_206, %add3A_45, %broadcast_in_dim3A_208 : vector<64x128xi1>, vector<64x128xi32>
      %reduce_max3A_210 = vector.shape_cast %select_n3A_209 : vector<64x128xi32> to vector<1x64x128xi32>
      %reduce_max3A_211 = arith.constant dense<-2147483648> : vector<1xi32>
      %reduce_max3A_212 = vector.multi_reduction <maxsi>, %reduce_max3A_210, %reduce_max3A_211 [1, 2] : vector<1x64x128xi32> to vector<1xi32>
      %reduce_max3A_213 = vector.shape_cast %reduce_max3A_212 : vector<1xi32> to vector<1x1x1xi32>
      %reduce_max3A_214 = vector.extract %reduce_max3A_213[0, 0, 0] : i32 from vector<1x1x1xi32>
      %eq3A_215 = arith.constant 16 : i32
      %eq3A_216 = vector.broadcast %eq3A_215 : i32 to vector<1x128xi32>
      %eq3A_217 = arith.cmpi eq, %iota3A_60, %eq3A_216 : vector<1x128xi32>
      %broadcast_in_dim3A_218 = vector.broadcast %reduce_max3A_214 : i32 to vector<1x128xi32>
      %select_n3A_219 = arith.select %eq3A_217, %broadcast_in_dim3A_218, %select_n3A_192 : vector<1x128xi1>, vector<1x128xi32>
      %ne3A_220 = vector.broadcast %reduce_max3A_214 : i32 to vector<64x128xi32>
      %ne3A_221 = arith.cmpi ne, %add3A_45, %ne3A_220 : vector<64x128xi32>
      %and3A_222 = arith.andi %and3A_195, %ne3A_221 : vector<64x128xi1>
      %jit3A_223 = arith.constant 3.000000e+38 : f32
      %broadcast_in_dim3A_224 = vector.broadcast %jit3A_223 : f32 to vector<64x128xf32>
      %select_n3A_225 = arith.select %and3A_222, %reshape3A, %broadcast_in_dim3A_224 : vector<64x128xi1>, vector<64x128xf32>
      %reduce_min3A_226 = vector.shape_cast %select_n3A_225 : vector<64x128xf32> to vector<1x64x128xf32>
      %reduce_min3A_227 = arith.constant dense<0x7F800000> : vector<1xf32>
      %reduce_min3A_228 = vector.multi_reduction <minimumf>, %reduce_min3A_226, %reduce_min3A_227 [1, 2] : vector<1x64x128xf32> to vector<1xf32>
      %reduce_min3A_229 = vector.shape_cast %reduce_min3A_228 : vector<1xf32> to vector<1x1x1xf32>
      %reduce_min3A_230 = vector.extract %reduce_min3A_229[0, 0, 0] : f32 from vector<1x1x1xf32>
      %eq3A_231 = vector.broadcast %reduce_min3A_230 : f32 to vector<64x128xf32>
      %eq3A_232 = arith.cmpf oeq, %reshape3A, %eq3A_231 : vector<64x128xf32>
      %and3A_233 = arith.andi %and3A_222, %eq3A_232 : vector<64x128xi1>
      %jit3A_234 = arith.constant -1 : i32
      %broadcast_in_dim3A_235 = vector.broadcast %jit3A_234 : i32 to vector<64x128xi32>
      %select_n3A_236 = arith.select %and3A_233, %add3A_45, %broadcast_in_dim3A_235 : vector<64x128xi1>, vector<64x128xi32>
      %reduce_max3A_237 = vector.shape_cast %select_n3A_236 : vector<64x128xi32> to vector<1x64x128xi32>
      %reduce_max3A_238 = arith.constant dense<-2147483648> : vector<1xi32>
      %reduce_max3A_239 = vector.multi_reduction <maxsi>, %reduce_max3A_237, %reduce_max3A_238 [1, 2] : vector<1x64x128xi32> to vector<1xi32>
      %reduce_max3A_240 = vector.shape_cast %reduce_max3A_239 : vector<1xi32> to vector<1x1x1xi32>
      %reduce_max3A_241 = vector.extract %reduce_max3A_240[0, 0, 0] : i32 from vector<1x1x1xi32>
      %eq3A_242 = arith.constant 15 : i32
      %eq3A_243 = vector.broadcast %eq3A_242 : i32 to vector<1x128xi32>
      %eq3A_244 = arith.cmpi eq, %iota3A_60, %eq3A_243 : vector<1x128xi32>
      %broadcast_in_dim3A_245 = vector.broadcast %reduce_max3A_241 : i32 to vector<1x128xi32>
      %select_n3A_246 = arith.select %eq3A_244, %broadcast_in_dim3A_245, %select_n3A_219 : vector<1x128xi1>, vector<1x128xi32>
      %ne3A_247 = vector.broadcast %reduce_max3A_241 : i32 to vector<64x128xi32>
      %ne3A_248 = arith.cmpi ne, %add3A_45, %ne3A_247 : vector<64x128xi32>
      %and3A_249 = arith.andi %and3A_222, %ne3A_248 : vector<64x128xi1>
      %jit3A_250 = arith.constant 3.000000e+38 : f32
      %broadcast_in_dim3A_251 = vector.broadcast %jit3A_250 : f32 to vector<64x128xf32>
      %select_n3A_252 = arith.select %and3A_249, %reshape3A, %broadcast_in_dim3A_251 : vector<64x128xi1>, vector<64x128xf32>
      %reduce_min3A_253 = vector.shape_cast %select_n3A_252 : vector<64x128xf32> to vector<1x64x128xf32>
      %reduce_min3A_254 = arith.constant dense<0x7F800000> : vector<1xf32>
      %reduce_min3A_255 = vector.multi_reduction <minimumf>, %reduce_min3A_253, %reduce_min3A_254 [1, 2] : vector<1x64x128xf32> to vector<1xf32>
      %reduce_min3A_256 = vector.shape_cast %reduce_min3A_255 : vector<1xf32> to vector<1x1x1xf32>
      %reduce_min3A_257 = vector.extract %reduce_min3A_256[0, 0, 0] : f32 from vector<1x1x1xf32>
      %eq3A_258 = vector.broadcast %reduce_min3A_257 : f32 to vector<64x128xf32>
      %eq3A_259 = arith.cmpf oeq, %reshape3A, %eq3A_258 : vector<64x128xf32>
      %and3A_260 = arith.andi %and3A_249, %eq3A_259 : vector<64x128xi1>
      %jit3A_261 = arith.constant -1 : i32
      %broadcast_in_dim3A_262 = vector.broadcast %jit3A_261 : i32 to vector<64x128xi32>
      %select_n3A_263 = arith.select %and3A_260, %add3A_45, %broadcast_in_dim3A_262 : vector<64x128xi1>, vector<64x128xi32>
      %reduce_max3A_264 = vector.shape_cast %select_n3A_263 : vector<64x128xi32> to vector<1x64x128xi32>
      %reduce_max3A_265 = arith.constant dense<-2147483648> : vector<1xi32>
      %reduce_max3A_266 = vector.multi_reduction <maxsi>, %reduce_max3A_264, %reduce_max3A_265 [1, 2] : vector<1x64x128xi32> to vector<1xi32>
      %reduce_max3A_267 = vector.shape_cast %reduce_max3A_266 : vector<1xi32> to vector<1x1x1xi32>
      %reduce_max3A_268 = vector.extract %reduce_max3A_267[0, 0, 0] : i32 from vector<1x1x1xi32>
      %eq3A_269 = arith.constant 14 : i32
      %eq3A_270 = vector.broadcast %eq3A_269 : i32 to vector<1x128xi32>
      %eq3A_271 = arith.cmpi eq, %iota3A_60, %eq3A_270 : vector<1x128xi32>
      %broadcast_in_dim3A_272 = vector.broadcast %reduce_max3A_268 : i32 to vector<1x128xi32>
      %select_n3A_273 = arith.select %eq3A_271, %broadcast_in_dim3A_272, %select_n3A_246 : vector<1x128xi1>, vector<1x128xi32>
      %ne3A_274 = vector.broadcast %reduce_max3A_268 : i32 to vector<64x128xi32>
      %ne3A_275 = arith.cmpi ne, %add3A_45, %ne3A_274 : vector<64x128xi32>
      %and3A_276 = arith.andi %and3A_249, %ne3A_275 : vector<64x128xi1>
      %jit3A_277 = arith.constant 3.000000e+38 : f32
      %broadcast_in_dim3A_278 = vector.broadcast %jit3A_277 : f32 to vector<64x128xf32>
      %select_n3A_279 = arith.select %and3A_276, %reshape3A, %broadcast_in_dim3A_278 : vector<64x128xi1>, vector<64x128xf32>
      %reduce_min3A_280 = vector.shape_cast %select_n3A_279 : vector<64x128xf32> to vector<1x64x128xf32>
      %reduce_min3A_281 = arith.constant dense<0x7F800000> : vector<1xf32>
      %reduce_min3A_282 = vector.multi_reduction <minimumf>, %reduce_min3A_280, %reduce_min3A_281 [1, 2] : vector<1x64x128xf32> to vector<1xf32>
      %reduce_min3A_283 = vector.shape_cast %reduce_min3A_282 : vector<1xf32> to vector<1x1x1xf32>
      %reduce_min3A_284 = vector.extract %reduce_min3A_283[0, 0, 0] : f32 from vector<1x1x1xf32>
      %eq3A_285 = vector.broadcast %reduce_min3A_284 : f32 to vector<64x128xf32>
      %eq3A_286 = arith.cmpf oeq, %reshape3A, %eq3A_285 : vector<64x128xf32>
      %and3A_287 = arith.andi %and3A_276, %eq3A_286 : vector<64x128xi1>
      %jit3A_288 = arith.constant -1 : i32
      %broadcast_in_dim3A_289 = vector.broadcast %jit3A_288 : i32 to vector<64x128xi32>
      %select_n3A_290 = arith.select %and3A_287, %add3A_45, %broadcast_in_dim3A_289 : vector<64x128xi1>, vector<64x128xi32>
      %reduce_max3A_291 = vector.shape_cast %select_n3A_290 : vector<64x128xi32> to vector<1x64x128xi32>
      %reduce_max3A_292 = arith.constant dense<-2147483648> : vector<1xi32>
      %reduce_max3A_293 = vector.multi_reduction <maxsi>, %reduce_max3A_291, %reduce_max3A_292 [1, 2] : vector<1x64x128xi32> to vector<1xi32>
      %reduce_max3A_294 = vector.shape_cast %reduce_max3A_293 : vector<1xi32> to vector<1x1x1xi32>
      %reduce_max3A_295 = vector.extract %reduce_max3A_294[0, 0, 0] : i32 from vector<1x1x1xi32>
      %eq3A_296 = arith.constant 13 : i32
      %eq3A_297 = vector.broadcast %eq3A_296 : i32 to vector<1x128xi32>
      %eq3A_298 = arith.cmpi eq, %iota3A_60, %eq3A_297 : vector<1x128xi32>
      %broadcast_in_dim3A_299 = vector.broadcast %reduce_max3A_295 : i32 to vector<1x128xi32>
      %select_n3A_300 = arith.select %eq3A_298, %broadcast_in_dim3A_299, %select_n3A_273 : vector<1x128xi1>, vector<1x128xi32>
      %ne3A_301 = vector.broadcast %reduce_max3A_295 : i32 to vector<64x128xi32>
      %ne3A_302 = arith.cmpi ne, %add3A_45, %ne3A_301 : vector<64x128xi32>
      %and3A_303 = arith.andi %and3A_276, %ne3A_302 : vector<64x128xi1>
      %jit3A_304 = arith.constant 3.000000e+38 : f32
      %broadcast_in_dim3A_305 = vector.broadcast %jit3A_304 : f32 to vector<64x128xf32>
      %select_n3A_306 = arith.select %and3A_303, %reshape3A, %broadcast_in_dim3A_305 : vector<64x128xi1>, vector<64x128xf32>
      %reduce_min3A_307 = vector.shape_cast %select_n3A_306 : vector<64x128xf32> to vector<1x64x128xf32>
      %reduce_min3A_308 = arith.constant dense<0x7F800000> : vector<1xf32>
      %reduce_min3A_309 = vector.multi_reduction <minimumf>, %reduce_min3A_307, %reduce_min3A_308 [1, 2] : vector<1x64x128xf32> to vector<1xf32>
      %reduce_min3A_310 = vector.shape_cast %reduce_min3A_309 : vector<1xf32> to vector<1x1x1xf32>
      %reduce_min3A_311 = vector.extract %reduce_min3A_310[0, 0, 0] : f32 from vector<1x1x1xf32>
      %eq3A_312 = vector.broadcast %reduce_min3A_311 : f32 to vector<64x128xf32>
      %eq3A_313 = arith.cmpf oeq, %reshape3A, %eq3A_312 : vector<64x128xf32>
      %and3A_314 = arith.andi %and3A_303, %eq3A_313 : vector<64x128xi1>
      %jit3A_315 = arith.constant -1 : i32
      %broadcast_in_dim3A_316 = vector.broadcast %jit3A_315 : i32 to vector<64x128xi32>
      %select_n3A_317 = arith.select %and3A_314, %add3A_45, %broadcast_in_dim3A_316 : vector<64x128xi1>, vector<64x128xi32>
      %reduce_max3A_318 = vector.shape_cast %select_n3A_317 : vector<64x128xi32> to vector<1x64x128xi32>
      %reduce_max3A_319 = arith.constant dense<-2147483648> : vector<1xi32>
      %reduce_max3A_320 = vector.multi_reduction <maxsi>, %reduce_max3A_318, %reduce_max3A_319 [1, 2] : vector<1x64x128xi32> to vector<1xi32>
      %reduce_max3A_321 = vector.shape_cast %reduce_max3A_320 : vector<1xi32> to vector<1x1x1xi32>
      %reduce_max3A_322 = vector.extract %reduce_max3A_321[0, 0, 0] : i32 from vector<1x1x1xi32>
      %eq3A_323 = arith.constant 12 : i32
      %eq3A_324 = vector.broadcast %eq3A_323 : i32 to vector<1x128xi32>
      %eq3A_325 = arith.cmpi eq, %iota3A_60, %eq3A_324 : vector<1x128xi32>
      %broadcast_in_dim3A_326 = vector.broadcast %reduce_max3A_322 : i32 to vector<1x128xi32>
      %select_n3A_327 = arith.select %eq3A_325, %broadcast_in_dim3A_326, %select_n3A_300 : vector<1x128xi1>, vector<1x128xi32>
      %ne3A_328 = vector.broadcast %reduce_max3A_322 : i32 to vector<64x128xi32>
      %ne3A_329 = arith.cmpi ne, %add3A_45, %ne3A_328 : vector<64x128xi32>
      %and3A_330 = arith.andi %and3A_303, %ne3A_329 : vector<64x128xi1>
      %jit3A_331 = arith.constant 3.000000e+38 : f32
      %broadcast_in_dim3A_332 = vector.broadcast %jit3A_331 : f32 to vector<64x128xf32>
      %select_n3A_333 = arith.select %and3A_330, %reshape3A, %broadcast_in_dim3A_332 : vector<64x128xi1>, vector<64x128xf32>
      %reduce_min3A_334 = vector.shape_cast %select_n3A_333 : vector<64x128xf32> to vector<1x64x128xf32>
      %reduce_min3A_335 = arith.constant dense<0x7F800000> : vector<1xf32>
      %reduce_min3A_336 = vector.multi_reduction <minimumf>, %reduce_min3A_334, %reduce_min3A_335 [1, 2] : vector<1x64x128xf32> to vector<1xf32>
      %reduce_min3A_337 = vector.shape_cast %reduce_min3A_336 : vector<1xf32> to vector<1x1x1xf32>
      %reduce_min3A_338 = vector.extract %reduce_min3A_337[0, 0, 0] : f32 from vector<1x1x1xf32>
      %eq3A_339 = vector.broadcast %reduce_min3A_338 : f32 to vector<64x128xf32>
      %eq3A_340 = arith.cmpf oeq, %reshape3A, %eq3A_339 : vector<64x128xf32>
      %and3A_341 = arith.andi %and3A_330, %eq3A_340 : vector<64x128xi1>
      %jit3A_342 = arith.constant -1 : i32
      %broadcast_in_dim3A_343 = vector.broadcast %jit3A_342 : i32 to vector<64x128xi32>
      %select_n3A_344 = arith.select %and3A_341, %add3A_45, %broadcast_in_dim3A_343 : vector<64x128xi1>, vector<64x128xi32>
      %reduce_max3A_345 = vector.shape_cast %select_n3A_344 : vector<64x128xi32> to vector<1x64x128xi32>
      %reduce_max3A_346 = arith.constant dense<-2147483648> : vector<1xi32>
      %reduce_max3A_347 = vector.multi_reduction <maxsi>, %reduce_max3A_345, %reduce_max3A_346 [1, 2] : vector<1x64x128xi32> to vector<1xi32>
      %reduce_max3A_348 = vector.shape_cast %reduce_max3A_347 : vector<1xi32> to vector<1x1x1xi32>
      %reduce_max3A_349 = vector.extract %reduce_max3A_348[0, 0, 0] : i32 from vector<1x1x1xi32>
      %eq3A_350 = arith.constant 11 : i32
      %eq3A_351 = vector.broadcast %eq3A_350 : i32 to vector<1x128xi32>
      %eq3A_352 = arith.cmpi eq, %iota3A_60, %eq3A_351 : vector<1x128xi32>
      %broadcast_in_dim3A_353 = vector.broadcast %reduce_max3A_349 : i32 to vector<1x128xi32>
      %select_n3A_354 = arith.select %eq3A_352, %broadcast_in_dim3A_353, %select_n3A_327 : vector<1x128xi1>, vector<1x128xi32>
      %ne3A_355 = vector.broadcast %reduce_max3A_349 : i32 to vector<64x128xi32>
      %ne3A_356 = arith.cmpi ne, %add3A_45, %ne3A_355 : vector<64x128xi32>
      %and3A_357 = arith.andi %and3A_330, %ne3A_356 : vector<64x128xi1>
      %jit3A_358 = arith.constant 3.000000e+38 : f32
      %broadcast_in_dim3A_359 = vector.broadcast %jit3A_358 : f32 to vector<64x128xf32>
      %select_n3A_360 = arith.select %and3A_357, %reshape3A, %broadcast_in_dim3A_359 : vector<64x128xi1>, vector<64x128xf32>
      %reduce_min3A_361 = vector.shape_cast %select_n3A_360 : vector<64x128xf32> to vector<1x64x128xf32>
      %reduce_min3A_362 = arith.constant dense<0x7F800000> : vector<1xf32>
      %reduce_min3A_363 = vector.multi_reduction <minimumf>, %reduce_min3A_361, %reduce_min3A_362 [1, 2] : vector<1x64x128xf32> to vector<1xf32>
      %reduce_min3A_364 = vector.shape_cast %reduce_min3A_363 : vector<1xf32> to vector<1x1x1xf32>
      %reduce_min3A_365 = vector.extract %reduce_min3A_364[0, 0, 0] : f32 from vector<1x1x1xf32>
      %eq3A_366 = vector.broadcast %reduce_min3A_365 : f32 to vector<64x128xf32>
      %eq3A_367 = arith.cmpf oeq, %reshape3A, %eq3A_366 : vector<64x128xf32>
      %and3A_368 = arith.andi %and3A_357, %eq3A_367 : vector<64x128xi1>
      %jit3A_369 = arith.constant -1 : i32
      %broadcast_in_dim3A_370 = vector.broadcast %jit3A_369 : i32 to vector<64x128xi32>
      %select_n3A_371 = arith.select %and3A_368, %add3A_45, %broadcast_in_dim3A_370 : vector<64x128xi1>, vector<64x128xi32>
      %reduce_max3A_372 = vector.shape_cast %select_n3A_371 : vector<64x128xi32> to vector<1x64x128xi32>
      %reduce_max3A_373 = arith.constant dense<-2147483648> : vector<1xi32>
      %reduce_max3A_374 = vector.multi_reduction <maxsi>, %reduce_max3A_372, %reduce_max3A_373 [1, 2] : vector<1x64x128xi32> to vector<1xi32>
      %reduce_max3A_375 = vector.shape_cast %reduce_max3A_374 : vector<1xi32> to vector<1x1x1xi32>
      %reduce_max3A_376 = vector.extract %reduce_max3A_375[0, 0, 0] : i32 from vector<1x1x1xi32>
      %eq3A_377 = arith.constant 10 : i32
      %eq3A_378 = vector.broadcast %eq3A_377 : i32 to vector<1x128xi32>
      %eq3A_379 = arith.cmpi eq, %iota3A_60, %eq3A_378 : vector<1x128xi32>
      %broadcast_in_dim3A_380 = vector.broadcast %reduce_max3A_376 : i32 to vector<1x128xi32>
      %select_n3A_381 = arith.select %eq3A_379, %broadcast_in_dim3A_380, %select_n3A_354 : vector<1x128xi1>, vector<1x128xi32>
      %ne3A_382 = vector.broadcast %reduce_max3A_376 : i32 to vector<64x128xi32>
      %ne3A_383 = arith.cmpi ne, %add3A_45, %ne3A_382 : vector<64x128xi32>
      %and3A_384 = arith.andi %and3A_357, %ne3A_383 : vector<64x128xi1>
      %jit3A_385 = arith.constant 3.000000e+38 : f32
      %broadcast_in_dim3A_386 = vector.broadcast %jit3A_385 : f32 to vector<64x128xf32>
      %select_n3A_387 = arith.select %and3A_384, %reshape3A, %broadcast_in_dim3A_386 : vector<64x128xi1>, vector<64x128xf32>
      %reduce_min3A_388 = vector.shape_cast %select_n3A_387 : vector<64x128xf32> to vector<1x64x128xf32>
      %reduce_min3A_389 = arith.constant dense<0x7F800000> : vector<1xf32>
      %reduce_min3A_390 = vector.multi_reduction <minimumf>, %reduce_min3A_388, %reduce_min3A_389 [1, 2] : vector<1x64x128xf32> to vector<1xf32>
      %reduce_min3A_391 = vector.shape_cast %reduce_min3A_390 : vector<1xf32> to vector<1x1x1xf32>
      %reduce_min3A_392 = vector.extract %reduce_min3A_391[0, 0, 0] : f32 from vector<1x1x1xf32>
      %eq3A_393 = vector.broadcast %reduce_min3A_392 : f32 to vector<64x128xf32>
      %eq3A_394 = arith.cmpf oeq, %reshape3A, %eq3A_393 : vector<64x128xf32>
      %and3A_395 = arith.andi %and3A_384, %eq3A_394 : vector<64x128xi1>
      %jit3A_396 = arith.constant -1 : i32
      %broadcast_in_dim3A_397 = vector.broadcast %jit3A_396 : i32 to vector<64x128xi32>
      %select_n3A_398 = arith.select %and3A_395, %add3A_45, %broadcast_in_dim3A_397 : vector<64x128xi1>, vector<64x128xi32>
      %reduce_max3A_399 = vector.shape_cast %select_n3A_398 : vector<64x128xi32> to vector<1x64x128xi32>
      %reduce_max3A_400 = arith.constant dense<-2147483648> : vector<1xi32>
      %reduce_max3A_401 = vector.multi_reduction <maxsi>, %reduce_max3A_399, %reduce_max3A_400 [1, 2] : vector<1x64x128xi32> to vector<1xi32>
      %reduce_max3A_402 = vector.shape_cast %reduce_max3A_401 : vector<1xi32> to vector<1x1x1xi32>
      %reduce_max3A_403 = vector.extract %reduce_max3A_402[0, 0, 0] : i32 from vector<1x1x1xi32>
      %eq3A_404 = arith.constant 9 : i32
      %eq3A_405 = vector.broadcast %eq3A_404 : i32 to vector<1x128xi32>
      %eq3A_406 = arith.cmpi eq, %iota3A_60, %eq3A_405 : vector<1x128xi32>
      %broadcast_in_dim3A_407 = vector.broadcast %reduce_max3A_403 : i32 to vector<1x128xi32>
      %select_n3A_408 = arith.select %eq3A_406, %broadcast_in_dim3A_407, %select_n3A_381 : vector<1x128xi1>, vector<1x128xi32>
      %ne3A_409 = vector.broadcast %reduce_max3A_403 : i32 to vector<64x128xi32>
      %ne3A_410 = arith.cmpi ne, %add3A_45, %ne3A_409 : vector<64x128xi32>
      %and3A_411 = arith.andi %and3A_384, %ne3A_410 : vector<64x128xi1>
      %jit3A_412 = arith.constant 3.000000e+38 : f32
      %broadcast_in_dim3A_413 = vector.broadcast %jit3A_412 : f32 to vector<64x128xf32>
      %select_n3A_414 = arith.select %and3A_411, %reshape3A, %broadcast_in_dim3A_413 : vector<64x128xi1>, vector<64x128xf32>
      %reduce_min3A_415 = vector.shape_cast %select_n3A_414 : vector<64x128xf32> to vector<1x64x128xf32>
      %reduce_min3A_416 = arith.constant dense<0x7F800000> : vector<1xf32>
      %reduce_min3A_417 = vector.multi_reduction <minimumf>, %reduce_min3A_415, %reduce_min3A_416 [1, 2] : vector<1x64x128xf32> to vector<1xf32>
      %reduce_min3A_418 = vector.shape_cast %reduce_min3A_417 : vector<1xf32> to vector<1x1x1xf32>
      %reduce_min3A_419 = vector.extract %reduce_min3A_418[0, 0, 0] : f32 from vector<1x1x1xf32>
      %eq3A_420 = vector.broadcast %reduce_min3A_419 : f32 to vector<64x128xf32>
      %eq3A_421 = arith.cmpf oeq, %reshape3A, %eq3A_420 : vector<64x128xf32>
      %and3A_422 = arith.andi %and3A_411, %eq3A_421 : vector<64x128xi1>
      %jit3A_423 = arith.constant -1 : i32
      %broadcast_in_dim3A_424 = vector.broadcast %jit3A_423 : i32 to vector<64x128xi32>
      %select_n3A_425 = arith.select %and3A_422, %add3A_45, %broadcast_in_dim3A_424 : vector<64x128xi1>, vector<64x128xi32>
      %reduce_max3A_426 = vector.shape_cast %select_n3A_425 : vector<64x128xi32> to vector<1x64x128xi32>
      %reduce_max3A_427 = arith.constant dense<-2147483648> : vector<1xi32>
      %reduce_max3A_428 = vector.multi_reduction <maxsi>, %reduce_max3A_426, %reduce_max3A_427 [1, 2] : vector<1x64x128xi32> to vector<1xi32>
      %reduce_max3A_429 = vector.shape_cast %reduce_max3A_428 : vector<1xi32> to vector<1x1x1xi32>
      %reduce_max3A_430 = vector.extract %reduce_max3A_429[0, 0, 0] : i32 from vector<1x1x1xi32>
      %eq3A_431 = arith.constant 8 : i32
      %eq3A_432 = vector.broadcast %eq3A_431 : i32 to vector<1x128xi32>
      %eq3A_433 = arith.cmpi eq, %iota3A_60, %eq3A_432 : vector<1x128xi32>
      %broadcast_in_dim3A_434 = vector.broadcast %reduce_max3A_430 : i32 to vector<1x128xi32>
      %select_n3A_435 = arith.select %eq3A_433, %broadcast_in_dim3A_434, %select_n3A_408 : vector<1x128xi1>, vector<1x128xi32>
      %ne3A_436 = vector.broadcast %reduce_max3A_430 : i32 to vector<64x128xi32>
      %ne3A_437 = arith.cmpi ne, %add3A_45, %ne3A_436 : vector<64x128xi32>
      %and3A_438 = arith.andi %and3A_411, %ne3A_437 : vector<64x128xi1>
      %jit3A_439 = arith.constant 3.000000e+38 : f32
      %broadcast_in_dim3A_440 = vector.broadcast %jit3A_439 : f32 to vector<64x128xf32>
      %select_n3A_441 = arith.select %and3A_438, %reshape3A, %broadcast_in_dim3A_440 : vector<64x128xi1>, vector<64x128xf32>
      %reduce_min3A_442 = vector.shape_cast %select_n3A_441 : vector<64x128xf32> to vector<1x64x128xf32>
      %reduce_min3A_443 = arith.constant dense<0x7F800000> : vector<1xf32>
      %reduce_min3A_444 = vector.multi_reduction <minimumf>, %reduce_min3A_442, %reduce_min3A_443 [1, 2] : vector<1x64x128xf32> to vector<1xf32>
      %reduce_min3A_445 = vector.shape_cast %reduce_min3A_444 : vector<1xf32> to vector<1x1x1xf32>
      %reduce_min3A_446 = vector.extract %reduce_min3A_445[0, 0, 0] : f32 from vector<1x1x1xf32>
      %eq3A_447 = vector.broadcast %reduce_min3A_446 : f32 to vector<64x128xf32>
      %eq3A_448 = arith.cmpf oeq, %reshape3A, %eq3A_447 : vector<64x128xf32>
      %and3A_449 = arith.andi %and3A_438, %eq3A_448 : vector<64x128xi1>
      %jit3A_450 = arith.constant -1 : i32
      %broadcast_in_dim3A_451 = vector.broadcast %jit3A_450 : i32 to vector<64x128xi32>
      %select_n3A_452 = arith.select %and3A_449, %add3A_45, %broadcast_in_dim3A_451 : vector<64x128xi1>, vector<64x128xi32>
      %reduce_max3A_453 = vector.shape_cast %select_n3A_452 : vector<64x128xi32> to vector<1x64x128xi32>
      %reduce_max3A_454 = arith.constant dense<-2147483648> : vector<1xi32>
      %reduce_max3A_455 = vector.multi_reduction <maxsi>, %reduce_max3A_453, %reduce_max3A_454 [1, 2] : vector<1x64x128xi32> to vector<1xi32>
      %reduce_max3A_456 = vector.shape_cast %reduce_max3A_455 : vector<1xi32> to vector<1x1x1xi32>
      %reduce_max3A_457 = vector.extract %reduce_max3A_456[0, 0, 0] : i32 from vector<1x1x1xi32>
      %eq3A_458 = arith.constant 7 : i32
      %eq3A_459 = vector.broadcast %eq3A_458 : i32 to vector<1x128xi32>
      %eq3A_460 = arith.cmpi eq, %iota3A_60, %eq3A_459 : vector<1x128xi32>
      %broadcast_in_dim3A_461 = vector.broadcast %reduce_max3A_457 : i32 to vector<1x128xi32>
      %select_n3A_462 = arith.select %eq3A_460, %broadcast_in_dim3A_461, %select_n3A_435 : vector<1x128xi1>, vector<1x128xi32>
      %ne3A_463 = vector.broadcast %reduce_max3A_457 : i32 to vector<64x128xi32>
      %ne3A_464 = arith.cmpi ne, %add3A_45, %ne3A_463 : vector<64x128xi32>
      %and3A_465 = arith.andi %and3A_438, %ne3A_464 : vector<64x128xi1>
      %jit3A_466 = arith.constant 3.000000e+38 : f32
      %broadcast_in_dim3A_467 = vector.broadcast %jit3A_466 : f32 to vector<64x128xf32>
      %select_n3A_468 = arith.select %and3A_465, %reshape3A, %broadcast_in_dim3A_467 : vector<64x128xi1>, vector<64x128xf32>
      %reduce_min3A_469 = vector.shape_cast %select_n3A_468 : vector<64x128xf32> to vector<1x64x128xf32>
      %reduce_min3A_470 = arith.constant dense<0x7F800000> : vector<1xf32>
      %reduce_min3A_471 = vector.multi_reduction <minimumf>, %reduce_min3A_469, %reduce_min3A_470 [1, 2] : vector<1x64x128xf32> to vector<1xf32>
      %reduce_min3A_472 = vector.shape_cast %reduce_min3A_471 : vector<1xf32> to vector<1x1x1xf32>
      %reduce_min3A_473 = vector.extract %reduce_min3A_472[0, 0, 0] : f32 from vector<1x1x1xf32>
      %eq3A_474 = vector.broadcast %reduce_min3A_473 : f32 to vector<64x128xf32>
      %eq3A_475 = arith.cmpf oeq, %reshape3A, %eq3A_474 : vector<64x128xf32>
      %and3A_476 = arith.andi %and3A_465, %eq3A_475 : vector<64x128xi1>
      %jit3A_477 = arith.constant -1 : i32
      %broadcast_in_dim3A_478 = vector.broadcast %jit3A_477 : i32 to vector<64x128xi32>
      %select_n3A_479 = arith.select %and3A_476, %add3A_45, %broadcast_in_dim3A_478 : vector<64x128xi1>, vector<64x128xi32>
      %reduce_max3A_480 = vector.shape_cast %select_n3A_479 : vector<64x128xi32> to vector<1x64x128xi32>
      %reduce_max3A_481 = arith.constant dense<-2147483648> : vector<1xi32>
      %reduce_max3A_482 = vector.multi_reduction <maxsi>, %reduce_max3A_480, %reduce_max3A_481 [1, 2] : vector<1x64x128xi32> to vector<1xi32>
      %reduce_max3A_483 = vector.shape_cast %reduce_max3A_482 : vector<1xi32> to vector<1x1x1xi32>
      %reduce_max3A_484 = vector.extract %reduce_max3A_483[0, 0, 0] : i32 from vector<1x1x1xi32>
      %eq3A_485 = arith.constant 6 : i32
      %eq3A_486 = vector.broadcast %eq3A_485 : i32 to vector<1x128xi32>
      %eq3A_487 = arith.cmpi eq, %iota3A_60, %eq3A_486 : vector<1x128xi32>
      %broadcast_in_dim3A_488 = vector.broadcast %reduce_max3A_484 : i32 to vector<1x128xi32>
      %select_n3A_489 = arith.select %eq3A_487, %broadcast_in_dim3A_488, %select_n3A_462 : vector<1x128xi1>, vector<1x128xi32>
      %ne3A_490 = vector.broadcast %reduce_max3A_484 : i32 to vector<64x128xi32>
      %ne3A_491 = arith.cmpi ne, %add3A_45, %ne3A_490 : vector<64x128xi32>
      %and3A_492 = arith.andi %and3A_465, %ne3A_491 : vector<64x128xi1>
      %jit3A_493 = arith.constant 3.000000e+38 : f32
      %broadcast_in_dim3A_494 = vector.broadcast %jit3A_493 : f32 to vector<64x128xf32>
      %select_n3A_495 = arith.select %and3A_492, %reshape3A, %broadcast_in_dim3A_494 : vector<64x128xi1>, vector<64x128xf32>
      %reduce_min3A_496 = vector.shape_cast %select_n3A_495 : vector<64x128xf32> to vector<1x64x128xf32>
      %reduce_min3A_497 = arith.constant dense<0x7F800000> : vector<1xf32>
      %reduce_min3A_498 = vector.multi_reduction <minimumf>, %reduce_min3A_496, %reduce_min3A_497 [1, 2] : vector<1x64x128xf32> to vector<1xf32>
      %reduce_min3A_499 = vector.shape_cast %reduce_min3A_498 : vector<1xf32> to vector<1x1x1xf32>
      %reduce_min3A_500 = vector.extract %reduce_min3A_499[0, 0, 0] : f32 from vector<1x1x1xf32>
      %eq3A_501 = vector.broadcast %reduce_min3A_500 : f32 to vector<64x128xf32>
      %eq3A_502 = arith.cmpf oeq, %reshape3A, %eq3A_501 : vector<64x128xf32>
      %and3A_503 = arith.andi %and3A_492, %eq3A_502 : vector<64x128xi1>
      %jit3A_504 = arith.constant -1 : i32
      %broadcast_in_dim3A_505 = vector.broadcast %jit3A_504 : i32 to vector<64x128xi32>
      %select_n3A_506 = arith.select %and3A_503, %add3A_45, %broadcast_in_dim3A_505 : vector<64x128xi1>, vector<64x128xi32>
      %reduce_max3A_507 = vector.shape_cast %select_n3A_506 : vector<64x128xi32> to vector<1x64x128xi32>
      %reduce_max3A_508 = arith.constant dense<-2147483648> : vector<1xi32>
      %reduce_max3A_509 = vector.multi_reduction <maxsi>, %reduce_max3A_507, %reduce_max3A_508 [1, 2] : vector<1x64x128xi32> to vector<1xi32>
      %reduce_max3A_510 = vector.shape_cast %reduce_max3A_509 : vector<1xi32> to vector<1x1x1xi32>
      %reduce_max3A_511 = vector.extract %reduce_max3A_510[0, 0, 0] : i32 from vector<1x1x1xi32>
      %eq3A_512 = arith.constant 5 : i32
      %eq3A_513 = vector.broadcast %eq3A_512 : i32 to vector<1x128xi32>
      %eq3A_514 = arith.cmpi eq, %iota3A_60, %eq3A_513 : vector<1x128xi32>
      %broadcast_in_dim3A_515 = vector.broadcast %reduce_max3A_511 : i32 to vector<1x128xi32>
      %select_n3A_516 = arith.select %eq3A_514, %broadcast_in_dim3A_515, %select_n3A_489 : vector<1x128xi1>, vector<1x128xi32>
      %ne3A_517 = vector.broadcast %reduce_max3A_511 : i32 to vector<64x128xi32>
      %ne3A_518 = arith.cmpi ne, %add3A_45, %ne3A_517 : vector<64x128xi32>
      %and3A_519 = arith.andi %and3A_492, %ne3A_518 : vector<64x128xi1>
      %jit3A_520 = arith.constant 3.000000e+38 : f32
      %broadcast_in_dim3A_521 = vector.broadcast %jit3A_520 : f32 to vector<64x128xf32>
      %select_n3A_522 = arith.select %and3A_519, %reshape3A, %broadcast_in_dim3A_521 : vector<64x128xi1>, vector<64x128xf32>
      %reduce_min3A_523 = vector.shape_cast %select_n3A_522 : vector<64x128xf32> to vector<1x64x128xf32>
      %reduce_min3A_524 = arith.constant dense<0x7F800000> : vector<1xf32>
      %reduce_min3A_525 = vector.multi_reduction <minimumf>, %reduce_min3A_523, %reduce_min3A_524 [1, 2] : vector<1x64x128xf32> to vector<1xf32>
      %reduce_min3A_526 = vector.shape_cast %reduce_min3A_525 : vector<1xf32> to vector<1x1x1xf32>
      %reduce_min3A_527 = vector.extract %reduce_min3A_526[0, 0, 0] : f32 from vector<1x1x1xf32>
      %eq3A_528 = vector.broadcast %reduce_min3A_527 : f32 to vector<64x128xf32>
      %eq3A_529 = arith.cmpf oeq, %reshape3A, %eq3A_528 : vector<64x128xf32>
      %and3A_530 = arith.andi %and3A_519, %eq3A_529 : vector<64x128xi1>
      %jit3A_531 = arith.constant -1 : i32
      %broadcast_in_dim3A_532 = vector.broadcast %jit3A_531 : i32 to vector<64x128xi32>
      %select_n3A_533 = arith.select %and3A_530, %add3A_45, %broadcast_in_dim3A_532 : vector<64x128xi1>, vector<64x128xi32>
      %reduce_max3A_534 = vector.shape_cast %select_n3A_533 : vector<64x128xi32> to vector<1x64x128xi32>
      %reduce_max3A_535 = arith.constant dense<-2147483648> : vector<1xi32>
      %reduce_max3A_536 = vector.multi_reduction <maxsi>, %reduce_max3A_534, %reduce_max3A_535 [1, 2] : vector<1x64x128xi32> to vector<1xi32>
      %reduce_max3A_537 = vector.shape_cast %reduce_max3A_536 : vector<1xi32> to vector<1x1x1xi32>
      %reduce_max3A_538 = vector.extract %reduce_max3A_537[0, 0, 0] : i32 from vector<1x1x1xi32>
      %eq3A_539 = arith.constant 4 : i32
      %eq3A_540 = vector.broadcast %eq3A_539 : i32 to vector<1x128xi32>
      %eq3A_541 = arith.cmpi eq, %iota3A_60, %eq3A_540 : vector<1x128xi32>
      %broadcast_in_dim3A_542 = vector.broadcast %reduce_max3A_538 : i32 to vector<1x128xi32>
      %select_n3A_543 = arith.select %eq3A_541, %broadcast_in_dim3A_542, %select_n3A_516 : vector<1x128xi1>, vector<1x128xi32>
      %ne3A_544 = vector.broadcast %reduce_max3A_538 : i32 to vector<64x128xi32>
      %ne3A_545 = arith.cmpi ne, %add3A_45, %ne3A_544 : vector<64x128xi32>
      %and3A_546 = arith.andi %and3A_519, %ne3A_545 : vector<64x128xi1>
      %jit3A_547 = arith.constant 3.000000e+38 : f32
      %broadcast_in_dim3A_548 = vector.broadcast %jit3A_547 : f32 to vector<64x128xf32>
      %select_n3A_549 = arith.select %and3A_546, %reshape3A, %broadcast_in_dim3A_548 : vector<64x128xi1>, vector<64x128xf32>
      %reduce_min3A_550 = vector.shape_cast %select_n3A_549 : vector<64x128xf32> to vector<1x64x128xf32>
      %reduce_min3A_551 = arith.constant dense<0x7F800000> : vector<1xf32>
      %reduce_min3A_552 = vector.multi_reduction <minimumf>, %reduce_min3A_550, %reduce_min3A_551 [1, 2] : vector<1x64x128xf32> to vector<1xf32>
      %reduce_min3A_553 = vector.shape_cast %reduce_min3A_552 : vector<1xf32> to vector<1x1x1xf32>
      %reduce_min3A_554 = vector.extract %reduce_min3A_553[0, 0, 0] : f32 from vector<1x1x1xf32>
      %eq3A_555 = vector.broadcast %reduce_min3A_554 : f32 to vector<64x128xf32>
      %eq3A_556 = arith.cmpf oeq, %reshape3A, %eq3A_555 : vector<64x128xf32>
      %and3A_557 = arith.andi %and3A_546, %eq3A_556 : vector<64x128xi1>
      %jit3A_558 = arith.constant -1 : i32
      %broadcast_in_dim3A_559 = vector.broadcast %jit3A_558 : i32 to vector<64x128xi32>
      %select_n3A_560 = arith.select %and3A_557, %add3A_45, %broadcast_in_dim3A_559 : vector<64x128xi1>, vector<64x128xi32>
      %reduce_max3A_561 = vector.shape_cast %select_n3A_560 : vector<64x128xi32> to vector<1x64x128xi32>
      %reduce_max3A_562 = arith.constant dense<-2147483648> : vector<1xi32>
      %reduce_max3A_563 = vector.multi_reduction <maxsi>, %reduce_max3A_561, %reduce_max3A_562 [1, 2] : vector<1x64x128xi32> to vector<1xi32>
      %reduce_max3A_564 = vector.shape_cast %reduce_max3A_563 : vector<1xi32> to vector<1x1x1xi32>
      %reduce_max3A_565 = vector.extract %reduce_max3A_564[0, 0, 0] : i32 from vector<1x1x1xi32>
      %eq3A_566 = arith.constant 3 : i32
      %eq3A_567 = vector.broadcast %eq3A_566 : i32 to vector<1x128xi32>
      %eq3A_568 = arith.cmpi eq, %iota3A_60, %eq3A_567 : vector<1x128xi32>
      %broadcast_in_dim3A_569 = vector.broadcast %reduce_max3A_565 : i32 to vector<1x128xi32>
      %select_n3A_570 = arith.select %eq3A_568, %broadcast_in_dim3A_569, %select_n3A_543 : vector<1x128xi1>, vector<1x128xi32>
      %ne3A_571 = vector.broadcast %reduce_max3A_565 : i32 to vector<64x128xi32>
      %ne3A_572 = arith.cmpi ne, %add3A_45, %ne3A_571 : vector<64x128xi32>
      %and3A_573 = arith.andi %and3A_546, %ne3A_572 : vector<64x128xi1>
      %jit3A_574 = arith.constant 3.000000e+38 : f32
      %broadcast_in_dim3A_575 = vector.broadcast %jit3A_574 : f32 to vector<64x128xf32>
      %select_n3A_576 = arith.select %and3A_573, %reshape3A, %broadcast_in_dim3A_575 : vector<64x128xi1>, vector<64x128xf32>
      %reduce_min3A_577 = vector.shape_cast %select_n3A_576 : vector<64x128xf32> to vector<1x64x128xf32>
      %reduce_min3A_578 = arith.constant dense<0x7F800000> : vector<1xf32>
      %reduce_min3A_579 = vector.multi_reduction <minimumf>, %reduce_min3A_577, %reduce_min3A_578 [1, 2] : vector<1x64x128xf32> to vector<1xf32>
      %reduce_min3A_580 = vector.shape_cast %reduce_min3A_579 : vector<1xf32> to vector<1x1x1xf32>
      %reduce_min3A_581 = vector.extract %reduce_min3A_580[0, 0, 0] : f32 from vector<1x1x1xf32>
      %eq3A_582 = vector.broadcast %reduce_min3A_581 : f32 to vector<64x128xf32>
      %eq3A_583 = arith.cmpf oeq, %reshape3A, %eq3A_582 : vector<64x128xf32>
      %and3A_584 = arith.andi %and3A_573, %eq3A_583 : vector<64x128xi1>
      %jit3A_585 = arith.constant -1 : i32
      %broadcast_in_dim3A_586 = vector.broadcast %jit3A_585 : i32 to vector<64x128xi32>
      %select_n3A_587 = arith.select %and3A_584, %add3A_45, %broadcast_in_dim3A_586 : vector<64x128xi1>, vector<64x128xi32>
      %reduce_max3A_588 = vector.shape_cast %select_n3A_587 : vector<64x128xi32> to vector<1x64x128xi32>
      %reduce_max3A_589 = arith.constant dense<-2147483648> : vector<1xi32>
      %reduce_max3A_590 = vector.multi_reduction <maxsi>, %reduce_max3A_588, %reduce_max3A_589 [1, 2] : vector<1x64x128xi32> to vector<1xi32>
      %reduce_max3A_591 = vector.shape_cast %reduce_max3A_590 : vector<1xi32> to vector<1x1x1xi32>
      %reduce_max3A_592 = vector.extract %reduce_max3A_591[0, 0, 0] : i32 from vector<1x1x1xi32>
      %eq3A_593 = arith.constant 2 : i32
      %eq3A_594 = vector.broadcast %eq3A_593 : i32 to vector<1x128xi32>
      %eq3A_595 = arith.cmpi eq, %iota3A_60, %eq3A_594 : vector<1x128xi32>
      %broadcast_in_dim3A_596 = vector.broadcast %reduce_max3A_592 : i32 to vector<1x128xi32>
      %select_n3A_597 = arith.select %eq3A_595, %broadcast_in_dim3A_596, %select_n3A_570 : vector<1x128xi1>, vector<1x128xi32>
      %ne3A_598 = vector.broadcast %reduce_max3A_592 : i32 to vector<64x128xi32>
      %ne3A_599 = arith.cmpi ne, %add3A_45, %ne3A_598 : vector<64x128xi32>
      %and3A_600 = arith.andi %and3A_573, %ne3A_599 : vector<64x128xi1>
      %jit3A_601 = arith.constant 3.000000e+38 : f32
      %broadcast_in_dim3A_602 = vector.broadcast %jit3A_601 : f32 to vector<64x128xf32>
      %select_n3A_603 = arith.select %and3A_600, %reshape3A, %broadcast_in_dim3A_602 : vector<64x128xi1>, vector<64x128xf32>
      %reduce_min3A_604 = vector.shape_cast %select_n3A_603 : vector<64x128xf32> to vector<1x64x128xf32>
      %reduce_min3A_605 = arith.constant dense<0x7F800000> : vector<1xf32>
      %reduce_min3A_606 = vector.multi_reduction <minimumf>, %reduce_min3A_604, %reduce_min3A_605 [1, 2] : vector<1x64x128xf32> to vector<1xf32>
      %reduce_min3A_607 = vector.shape_cast %reduce_min3A_606 : vector<1xf32> to vector<1x1x1xf32>
      %reduce_min3A_608 = vector.extract %reduce_min3A_607[0, 0, 0] : f32 from vector<1x1x1xf32>
      %eq3A_609 = vector.broadcast %reduce_min3A_608 : f32 to vector<64x128xf32>
      %eq3A_610 = arith.cmpf oeq, %reshape3A, %eq3A_609 : vector<64x128xf32>
      %and3A_611 = arith.andi %and3A_600, %eq3A_610 : vector<64x128xi1>
      %jit3A_612 = arith.constant -1 : i32
      %broadcast_in_dim3A_613 = vector.broadcast %jit3A_612 : i32 to vector<64x128xi32>
      %select_n3A_614 = arith.select %and3A_611, %add3A_45, %broadcast_in_dim3A_613 : vector<64x128xi1>, vector<64x128xi32>
      %reduce_max3A_615 = vector.shape_cast %select_n3A_614 : vector<64x128xi32> to vector<1x64x128xi32>
      %reduce_max3A_616 = arith.constant dense<-2147483648> : vector<1xi32>
      %reduce_max3A_617 = vector.multi_reduction <maxsi>, %reduce_max3A_615, %reduce_max3A_616 [1, 2] : vector<1x64x128xi32> to vector<1xi32>
      %reduce_max3A_618 = vector.shape_cast %reduce_max3A_617 : vector<1xi32> to vector<1x1x1xi32>
      %reduce_max3A_619 = vector.extract %reduce_max3A_618[0, 0, 0] : i32 from vector<1x1x1xi32>
      %eq3A_620 = arith.constant 1 : i32
      %eq3A_621 = vector.broadcast %eq3A_620 : i32 to vector<1x128xi32>
      %eq3A_622 = arith.cmpi eq, %iota3A_60, %eq3A_621 : vector<1x128xi32>
      %broadcast_in_dim3A_623 = vector.broadcast %reduce_max3A_619 : i32 to vector<1x128xi32>
      %select_n3A_624 = arith.select %eq3A_622, %broadcast_in_dim3A_623, %select_n3A_597 : vector<1x128xi1>, vector<1x128xi32>
      %ne3A_625 = vector.broadcast %reduce_max3A_619 : i32 to vector<64x128xi32>
      %ne3A_626 = arith.cmpi ne, %add3A_45, %ne3A_625 : vector<64x128xi32>
      %and3A_627 = arith.andi %and3A_600, %ne3A_626 : vector<64x128xi1>
      %jit3A_628 = arith.constant 3.000000e+38 : f32
      %broadcast_in_dim3A_629 = vector.broadcast %jit3A_628 : f32 to vector<64x128xf32>
      %select_n3A_630 = arith.select %and3A_627, %reshape3A, %broadcast_in_dim3A_629 : vector<64x128xi1>, vector<64x128xf32>
      %reduce_min3A_631 = vector.shape_cast %select_n3A_630 : vector<64x128xf32> to vector<1x64x128xf32>
      %reduce_min3A_632 = arith.constant dense<0x7F800000> : vector<1xf32>
      %reduce_min3A_633 = vector.multi_reduction <minimumf>, %reduce_min3A_631, %reduce_min3A_632 [1, 2] : vector<1x64x128xf32> to vector<1xf32>
      %reduce_min3A_634 = vector.shape_cast %reduce_min3A_633 : vector<1xf32> to vector<1x1x1xf32>
      %reduce_min3A_635 = vector.extract %reduce_min3A_634[0, 0, 0] : f32 from vector<1x1x1xf32>
      %eq3A_636 = vector.broadcast %reduce_min3A_635 : f32 to vector<64x128xf32>
      %eq3A_637 = arith.cmpf oeq, %reshape3A, %eq3A_636 : vector<64x128xf32>
      %and3A_638 = arith.andi %and3A_627, %eq3A_637 : vector<64x128xi1>
      %jit3A_639 = arith.constant -1 : i32
      %broadcast_in_dim3A_640 = vector.broadcast %jit3A_639 : i32 to vector<64x128xi32>
      %select_n3A_641 = arith.select %and3A_638, %add3A_45, %broadcast_in_dim3A_640 : vector<64x128xi1>, vector<64x128xi32>
      %reduce_max3A_642 = vector.shape_cast %select_n3A_641 : vector<64x128xi32> to vector<1x64x128xi32>
      %reduce_max3A_643 = arith.constant dense<-2147483648> : vector<1xi32>
      %reduce_max3A_644 = vector.multi_reduction <maxsi>, %reduce_max3A_642, %reduce_max3A_643 [1, 2] : vector<1x64x128xi32> to vector<1xi32>
      %reduce_max3A_645 = vector.shape_cast %reduce_max3A_644 : vector<1xi32> to vector<1x1x1xi32>
      %reduce_max3A_646 = vector.extract %reduce_max3A_645[0, 0, 0] : i32 from vector<1x1x1xi32>
      %eq3A_647 = arith.constant 0 : i32
      %eq3A_648 = vector.broadcast %eq3A_647 : i32 to vector<1x128xi32>
      %eq3A_649 = arith.cmpi eq, %iota3A_60, %eq3A_648 : vector<1x128xi32>
      %broadcast_in_dim3A_650 = vector.broadcast %reduce_max3A_646 : i32 to vector<1x128xi32>
      %select_n3A_651 = arith.select %eq3A_649, %broadcast_in_dim3A_650, %select_n3A_624 : vector<1x128xi1>, vector<1x128xi32>
      %iota3A_652 = tpu.iota {dimensions = array<i32: 0>} : vector<8x128xi32>
      %eq3A_653 = arith.constant 1 : i32
      %eq3A_654 = vector.broadcast %eq3A_653 : i32 to vector<8x128xi32>
      %eq3A_655 = arith.cmpi eq, %iota3A_652, %eq3A_654 : vector<8x128xi32>
      %eq3A_656 = arith.constant 5 : i32
      %eq3A_657 = vector.broadcast %eq3A_656 : i32 to vector<8x128xi32>
      %eq3A_658 = arith.cmpi eq, %iota3A_652, %eq3A_657 : vector<8x128xi32>
      %broadcast_in_dim3A_659 = vector.shape_cast %select_n3A_651 : vector<1x128xi32> to vector<1x128xi32>
      %broadcast_in_dim3A_660 = vector.broadcast %broadcast_in_dim3A_659 : vector<1x128xi32> to vector<8x128xi32>
      %jit3A_661 = arith.constant 0 : i32
      %broadcast_in_dim3A_662 = vector.broadcast %jit3A_661 : i32 to vector<8x128xi32>
      %select_n3A_663 = arith.select %eq3A_658, %broadcast_in_dim3A_660, %broadcast_in_dim3A_662 : vector<8x128xi1>, vector<8x128xi32>
      %broadcast_in_dim3A_664 = vector.broadcast %reduce_min3A_59 : i32 to vector<8x128xi32>
      %select_n3A_665 = arith.select %eq3A_655, %broadcast_in_dim3A_664, %select_n3A_663 : vector<8x128xi1>, vector<8x128xi32>
      %swap3A_666 = arith.constant 0 : index
      %swap3A_667 = arith.constant 0 : index
      %swap3A_668 = vector.load %arg7[%swap3A_666, %swap3A_667] : memref<8x128xi32, #tpu.memory_space<vmem>>, vector<8x128xi32>
      tpu.vector_store %arg7[%swap3A_666, %swap3A_667], %select_n3A_665 {strides = array<i32>} : memref<8x128xi32, #tpu.memory_space<vmem>>, vector<8x128xi32>,
    } else {
    }
    %not3A = arith.constant true
    %not3A_77 = arith.xori %and3A_73, %not3A : i1
    %convert_element_type3A_78 = arith.extui %not3A_77 : i1 to i32
    %cond3A_79 = arith.constant 0 : i32
    %cond3A_80 = arith.cmpi ne, %convert_element_type3A_78, %cond3A_79 : i32
    scf.if %cond3A_80 {
      %iota3A_114 = tpu.iota {dimensions = array<i32: 0>} : vector<32x1xi32>
      %sub3A = arith.constant 20 : i32
      %sub3A_115 = arith.subi %get3A_2, %sub3A : i32
      %jit3A_116 = arith.constant 0 : i32
      %jit3A_117 = arith.constant 8172 : i32
      %max3A_118 = arith.maxsi %jit3A_116, %sub3A_115 : i32
      %min3A_119 = arith.minsi %jit3A_117, %max3A_118 : i32
      %eq3A_120 = arith.constant 0 : i32
      %eq3A_121 = vector.broadcast %eq3A_120 : i32 to vector<32x1xi32>
      %eq3A_122 = arith.cmpi eq, %iota3A_114, %eq3A_121 : vector<32x1xi32>
      %add3A_123 = vector.broadcast %min3A_119 : i32 to vector<32x1xi32>
      %add3A_124 = arith.addi %add3A_123, %iota3A_114 : vector<32x1xi32>
      %jit3A_125 = arith.constant 1 : i32
      %broadcast_in_dim3A_126 = vector.broadcast %jit3A_125 : i32 to vector<32x1xi32>
      %select_n3A_127 = arith.select %eq3A_122, %broadcast_in_dim3A_126, %add3A_124 : vector<32x1xi1>, vector<32x1xi32>
      %reduce_min3A_128 = vector.shape_cast %slice3A : vector<1x8192xf32> to vector<1x1x8192xf32>
      %reduce_min3A_129 = arith.constant dense<0x7F800000> : vector<1xf32>
      %reduce_min3A_130 = vector.multi_reduction <minimumf>, %reduce_min3A_128, %reduce_min3A_129 [1, 2] : vector<1x1x8192xf32> to vector<1xf32>
      %reduce_min3A_131 = vector.shape_cast %reduce_min3A_130 : vector<1xf32> to vector<1x1x1xf32>
      %reduce_min3A_132 = vector.extract %reduce_min3A_131[0, 0, 0] : f32 from vector<1x1x1xf32>
      %broadcast_in_dim3A_133 = vector.broadcast %reduce_min3A_132 : f32 to vector<32x1xf32>
      %reduce_max3A_134 = vector.shape_cast %slice3A : vector<1x8192xf32> to vector<1x1x8192xf32>
      %reduce_max3A_135 = arith.constant dense<0xFF800000> : vector<1xf32>
      %reduce_max3A_136 = vector.multi_reduction <maximumf>, %reduce_max3A_134, %reduce_max3A_135 [1, 2] : vector<1x1x8192xf32> to vector<1xf32>
      %reduce_max3A_137 = vector.shape_cast %reduce_max3A_136 : vector<1xf32> to vector<1x1x1xf32>
      %reduce_max3A_138 = vector.extract %reduce_max3A_137[0, 0, 0] : f32 from vector<1x1x1xf32>
      %broadcast_in_dim3A_139 = vector.broadcast %reduce_max3A_138 : f32 to vector<32x1xf32>
      %abs3A_140 = math.absf %broadcast_in_dim3A_139 : vector<32x1xf32>
      %mul3A_141 = arith.constant 9.99999997E-7 : f32
      %mul3A_142 = vector.broadcast %mul3A_141 : f32 to vector<32x1xf32>
      %mul3A_143 = arith.mulf %abs3A_140, %mul3A_142 : vector<32x1xf32>
      %add3A_144 = arith.addf %broadcast_in_dim3A_139, %mul3A_143 : vector<32x1xf32>
      %add3A_145 = arith.constant 1.000000e-30 : f32
      %add3A_146 = vector.broadcast %add3A_145 : f32 to vector<32x1xf32>
      %add3A_147 = arith.addf %add3A_144, %add3A_146 : vector<32x1xf32>
      %scan3A_148 = arith.constant 0 : i32
      %scan3A_149 = arith.constant 52 : i32
      %scan3A_150 = arith.addi %scan3A_148, %scan3A_149 : i32
      %scan3A_151 = arith.constant 1 : i32
      %scan3A_152:2 = scf.for %scan3A_336 = %scan3A_148 to %scan3A_150 step %scan3A_151 iter_args(%scan3A_337 = %broadcast_in_dim3A_133, %scan3A_338 = %add3A_147) -> (vector<32x1xf32>, vector<32x1xf32>)  : i32 {
        %add3A_339 = arith.addf %scan3A_337, %scan3A_338 : vector<32x1xf32>
        %mul3A_340 = arith.constant 5.000000e-01 : f32
        %mul3A_341 = vector.broadcast %mul3A_340 : f32 to vector<32x1xf32>
        %mul3A_342 = arith.mulf %mul3A_341, %add3A_339 : vector<32x1xf32>
        %ge3A_343 = vector.broadcast %slice3A : vector<1x8192xf32> to vector<32x8192xf32>
        %ge3A_344 = vector.broadcast %mul3A_342 : vector<32x1xf32> to vector<32x8192xf32>
        %ge3A_345 = arith.cmpf oge, %ge3A_343, %ge3A_344 : vector<32x8192xf32>
        %convert_element_type3A_346 = arith.extui %ge3A_345 : vector<32x8192xi1> to vector<32x8192xi32>
        %reduce_sum3A_347 = arith.constant dense<0> : vector<32xi32>
        %reduce_sum3A_348 = vector.multi_reduction <add>, %convert_element_type3A_346, %reduce_sum3A_347 [1] : vector<32x8192xi32> to vector<32xi32>
        %broadcast_in_dim3A_349 = vector.shape_cast %reduce_sum3A_348 : vector<32xi32> to vector<32x1xi32>
        %ge3A_350 = arith.cmpi sge, %broadcast_in_dim3A_349, %select_n3A_127 : vector<32x1xi32>
        %select_n3A_351 = arith.select %ge3A_350, %mul3A_342, %scan3A_337 : vector<32x1xi1>, vector<32x1xf32>
        %select_n3A_352 = arith.select %ge3A_350, %scan3A_338, %mul3A_342 : vector<32x1xi1>, vector<32x1xf32>
        scf.yield %select_n3A_351, %select_n3A_352 : vector<32x1xf32>, vector<32x1xf32>
      }
      %ge3A_153 = vector.broadcast %slice3A : vector<1x8192xf32> to vector<32x8192xf32>
      %ge3A_154 = vector.broadcast %scan3A_152#1 : vector<32x1xf32> to vector<32x8192xf32>
      %ge3A_155 = arith.cmpf oge, %ge3A_153, %ge3A_154 : vector<32x8192xf32>
      %convert_element_type3A_156 = arith.extui %ge3A_155 : vector<32x8192xi1> to vector<32x8192xi32>
      %reduce_sum3A_157 = arith.constant dense<0> : vector<32xi32>
      %reduce_sum3A_158 = vector.multi_reduction <add>, %convert_element_type3A_156, %reduce_sum3A_157 [1] : vector<32x8192xi32> to vector<32xi32>
      %broadcast_in_dim3A_159 = vector.shape_cast %reduce_sum3A_158 : vector<32xi32> to vector<32x1xi32>
      %sub3A_160 = arith.subi %select_n3A_127, %broadcast_in_dim3A_159 : vector<32x1xi32>
      %ge3A_161 = vector.broadcast %slice3A : vector<1x8192xf32> to vector<32x8192xf32>
      %ge3A_162 = vector.broadcast %scan3A_152#0 : vector<32x1xf32> to vector<32x8192xf32>
      %ge3A_163 = arith.cmpf oge, %ge3A_161, %ge3A_162 : vector<32x8192xf32>
      %lt3A_164 = vector.broadcast %slice3A : vector<1x8192xf32> to vector<32x8192xf32>
      %lt3A_165 = vector.broadcast %scan3A_152#1 : vector<32x1xf32> to vector<32x8192xf32>
      %lt3A_166 = arith.cmpf olt, %lt3A_164, %lt3A_165 : vector<32x8192xf32>
      %and3A_167 = arith.andi %ge3A_163, %lt3A_166 : vector<32x8192xi1>
      %iota3A_168 = tpu.iota {dimensions = array<i32: 1>} : vector<1x8192xi32>
      %broadcast_in_dim3A_169 = arith.constant -1 : i32
      %broadcast_in_dim3A_170 = vector.broadcast %broadcast_in_dim3A_169 : i32 to vector<32x1xi32>
      %broadcast_in_dim3A_171 = arith.constant 8191 : i32
      %broadcast_in_dim3A_172 = vector.broadcast %broadcast_in_dim3A_171 : i32 to vector<32x1xi32>
      %scan3A_173 = arith.constant 0 : i32
      %scan3A_174 = arith.constant 13 : i32
      %scan3A_175 = arith.addi %scan3A_173, %scan3A_174 : i32
      %scan3A_176 = arith.constant 1 : i32
      %scan3A_177:2 = scf.for %scan3A_336 = %scan3A_173 to %scan3A_175 step %scan3A_176 iter_args(%scan3A_337 = %broadcast_in_dim3A_170, %scan3A_338 = %broadcast_in_dim3A_172) -> (vector<32x1xi32>, vector<32x1xi32>)  : i32 {
        %sub3A_339 = arith.subi %scan3A_338, %scan3A_337 : vector<32x1xi32>
        %jit3A_340 = arith.constant 2 : i32
        %div3A = vector.broadcast %jit3A_340 : i32 to vector<32x1xi32>
        %div3A_341 = arith.divsi %sub3A_339, %div3A : vector<32x1xi32>
        %sign3A = arith.constant 0 : i32
        %sign3A_342 = vector.broadcast %sign3A : i32 to vector<32x1xi32>
        %sign3A_343 = arith.cmpi sgt, %sub3A_339, %sign3A_342 : vector<32x1xi32>
        %sign3A_344 = arith.extui %sign3A_343 : vector<32x1xi1> to vector<32x1xi32>
        %sign3A_345 = arith.constant 0 : i32
        %sign3A_346 = vector.broadcast %sign3A_345 : i32 to vector<32x1xi32>
        %sign3A_347 = arith.cmpi slt, %sub3A_339, %sign3A_346 : vector<32x1xi32>
        %sign3A_348 = arith.extui %sign3A_347 : vector<32x1xi1> to vector<32x1xi32>
        %sign3A_349 = arith.subi %sign3A_344, %sign3A_348 : vector<32x1xi32>
        %sign3A_350 = arith.constant 0 : i32
        %sign3A_351 = arith.cmpi sgt, %jit3A_340, %sign3A_350 : i32
        %sign3A_352 = arith.extui %sign3A_351 : i1 to i32
        %sign3A_353 = arith.constant 0 : i32
        %sign3A_354 = arith.cmpi slt, %jit3A_340, %sign3A_353 : i32
        %sign3A_355 = arith.extui %sign3A_354 : i1 to i32
        %sign3A_356 = arith.subi %sign3A_352, %sign3A_355 : i32
        %ne3A = vector.broadcast %sign3A_356 : i32 to vector<32x1xi32>
        %ne3A_357 = arith.cmpi ne, %sign3A_349, %ne3A : vector<32x1xi32>
        %rem3A = vector.broadcast %jit3A_340 : i32 to vector<32x1xi32>
        %rem3A_358 = arith.remsi %sub3A_339, %rem3A : vector<32x1xi32>
        %ne3A_359 = arith.constant 0 : i32
        %ne3A_360 = vector.broadcast %ne3A_359 : i32 to vector<32x1xi32>
        %ne3A_361 = arith.cmpi ne, %rem3A_358, %ne3A_360 : vector<32x1xi32>
        %and3A_362 = arith.andi %ne3A_357, %ne3A_361 : vector<32x1xi1>
        %sub3A_363 = arith.constant 1 : i32
        %sub3A_364 = vector.broadcast %sub3A_363 : i32 to vector<32x1xi32>
        %sub3A_365 = arith.subi %div3A_341, %sub3A_364 : vector<32x1xi32>
        %select_n3A_366 = arith.select %and3A_362, %sub3A_365, %div3A_341 : vector<32x1xi1>, vector<32x1xi32>
        %add3A_367 = arith.addi %scan3A_337, %select_n3A_366 : vector<32x1xi32>
        %le3A = vector.broadcast %iota3A_168 : vector<1x8192xi32> to vector<32x8192xi32>
        %le3A_368 = vector.broadcast %add3A_367 : vector<32x1xi32> to vector<32x8192xi32>
        %le3A_369 = arith.cmpi sle, %le3A, %le3A_368 : vector<32x8192xi32>
        %and3A_370 = arith.andi %and3A_167, %le3A_369 : vector<32x8192xi1>
        %convert_element_type3A_371 = arith.extui %and3A_370 : vector<32x8192xi1> to vector<32x8192xi32>
        %reduce_sum3A_372 = arith.constant dense<0> : vector<32xi32>
        %reduce_sum3A_373 = vector.multi_reduction <add>, %convert_element_type3A_371, %reduce_sum3A_372 [1] : vector<32x8192xi32> to vector<32xi32>
        %broadcast_in_dim3A_374 = vector.shape_cast %reduce_sum3A_373 : vector<32xi32> to vector<32x1xi32>
        %ge3A_375 = arith.cmpi sge, %broadcast_in_dim3A_374, %sub3A_160 : vector<32x1xi32>
        %select_n3A_376 = arith.select %ge3A_375, %scan3A_337, %add3A_367 : vector<32x1xi1>, vector<32x1xi32>
        %select_n3A_377 = arith.select %ge3A_375, %add3A_367, %scan3A_338 : vector<32x1xi1>, vector<32x1xi32>
        scf.yield %select_n3A_376, %select_n3A_377 : vector<32x1xi32>, vector<32x1xi32>
      }
      %broadcast_in_dim3A_178 = arith.constant 0 : i32
      %broadcast_in_dim3A_179 = vector.broadcast %broadcast_in_dim3A_178 : i32 to vector<1x128xi32>
      %eq3A_180 = arith.constant 0 : i32
      %eq3A_181 = vector.broadcast %eq3A_180 : i32 to vector<1x128xi32>
      %eq3A_182 = arith.cmpi eq, %iota3A_60, %eq3A_181 : vector<1x128xi32>
      %slice3A_183 = vector.extract_strided_slice %scan3A_177#1 {offsets = [1, 0], sizes = [1, 1], strides = [1, 1]} : vector<32x1xi32> to vector<1x1xi32>
      %squeeze3A = vector.extract %slice3A_183[0, 0] : i32 from vector<1x1xi32>
      %broadcast_in_dim3A_184 = vector.broadcast %squeeze3A : i32 to vector<1x128xi32>
      %select_n3A_185 = arith.select %eq3A_182, %broadcast_in_dim3A_184, %broadcast_in_dim3A_179 : vector<1x128xi1>, vector<1x128xi32>
      %eq3A_186 = arith.constant 1 : i32
      %eq3A_187 = vector.broadcast %eq3A_186 : i32 to vector<1x128xi32>
      %eq3A_188 = arith.cmpi eq, %iota3A_60, %eq3A_187 : vector<1x128xi32>
      %slice3A_189 = vector.extract_strided_slice %scan3A_177#1 {offsets = [2, 0], sizes = [1, 1], strides = [1, 1]} : vector<32x1xi32> to vector<1x1xi32>
      %squeeze3A_190 = vector.extract %slice3A_189[0, 0] : i32 from vector<1x1xi32>
      %broadcast_in_dim3A_191 = vector.broadcast %squeeze3A_190 : i32 to vector<1x128xi32>
      %select_n3A_192 = arith.select %eq3A_188, %broadcast_in_dim3A_191, %select_n3A_185 : vector<1x128xi1>, vector<1x128xi32>
      %eq3A_193 = arith.constant 2 : i32
      %eq3A_194 = vector.broadcast %eq3A_193 : i32 to vector<1x128xi32>
      %eq3A_195 = arith.cmpi eq, %iota3A_60, %eq3A_194 : vector<1x128xi32>
      %slice3A_196 = vector.extract_strided_slice %scan3A_177#1 {offsets = [3, 0], sizes = [1, 1], strides = [1, 1]} : vector<32x1xi32> to vector<1x1xi32>
      %squeeze3A_197 = vector.extract %slice3A_196[0, 0] : i32 from vector<1x1xi32>
      %broadcast_in_dim3A_198 = vector.broadcast %squeeze3A_197 : i32 to vector<1x128xi32>
      %select_n3A_199 = arith.select %eq3A_195, %broadcast_in_dim3A_198, %select_n3A_192 : vector<1x128xi1>, vector<1x128xi32>
      %eq3A_200 = arith.constant 3 : i32
      %eq3A_201 = vector.broadcast %eq3A_200 : i32 to vector<1x128xi32>
      %eq3A_202 = arith.cmpi eq, %iota3A_60, %eq3A_201 : vector<1x128xi32>
      %slice3A_203 = vector.extract_strided_slice %scan3A_177#1 {offsets = [4, 0], sizes = [1, 1], strides = [1, 1]} : vector<32x1xi32> to vector<1x1xi32>
      %squeeze3A_204 = vector.extract %slice3A_203[0, 0] : i32 from vector<1x1xi32>
      %broadcast_in_dim3A_205 = vector.broadcast %squeeze3A_204 : i32 to vector<1x128xi32>
      %select_n3A_206 = arith.select %eq3A_202, %broadcast_in_dim3A_205, %select_n3A_199 : vector<1x128xi1>, vector<1x128xi32>
      %eq3A_207 = arith.constant 4 : i32
      %eq3A_208 = vector.broadcast %eq3A_207 : i32 to vector<1x128xi32>
      %eq3A_209 = arith.cmpi eq, %iota3A_60, %eq3A_208 : vector<1x128xi32>
      %slice3A_210 = vector.extract_strided_slice %scan3A_177#1 {offsets = [5, 0], sizes = [1, 1], strides = [1, 1]} : vector<32x1xi32> to vector<1x1xi32>
      %squeeze3A_211 = vector.extract %slice3A_210[0, 0] : i32 from vector<1x1xi32>
      %broadcast_in_dim3A_212 = vector.broadcast %squeeze3A_211 : i32 to vector<1x128xi32>
      %select_n3A_213 = arith.select %eq3A_209, %broadcast_in_dim3A_212, %select_n3A_206 : vector<1x128xi1>, vector<1x128xi32>
      %eq3A_214 = arith.constant 5 : i32
      %eq3A_215 = vector.broadcast %eq3A_214 : i32 to vector<1x128xi32>
      %eq3A_216 = arith.cmpi eq, %iota3A_60, %eq3A_215 : vector<1x128xi32>
      %slice3A_217 = vector.extract_strided_slice %scan3A_177#1 {offsets = [6, 0], sizes = [1, 1], strides = [1, 1]} : vector<32x1xi32> to vector<1x1xi32>
      %squeeze3A_218 = vector.extract %slice3A_217[0, 0] : i32 from vector<1x1xi32>
      %broadcast_in_dim3A_219 = vector.broadcast %squeeze3A_218 : i32 to vector<1x128xi32>
      %select_n3A_220 = arith.select %eq3A_216, %broadcast_in_dim3A_219, %select_n3A_213 : vector<1x128xi1>, vector<1x128xi32>
      %eq3A_221 = arith.constant 6 : i32
      %eq3A_222 = vector.broadcast %eq3A_221 : i32 to vector<1x128xi32>
      %eq3A_223 = arith.cmpi eq, %iota3A_60, %eq3A_222 : vector<1x128xi32>
      %slice3A_224 = vector.extract_strided_slice %scan3A_177#1 {offsets = [7, 0], sizes = [1, 1], strides = [1, 1]} : vector<32x1xi32> to vector<1x1xi32>
      %squeeze3A_225 = vector.extract %slice3A_224[0, 0] : i32 from vector<1x1xi32>
      %broadcast_in_dim3A_226 = vector.broadcast %squeeze3A_225 : i32 to vector<1x128xi32>
      %select_n3A_227 = arith.select %eq3A_223, %broadcast_in_dim3A_226, %select_n3A_220 : vector<1x128xi1>, vector<1x128xi32>
      %eq3A_228 = arith.constant 7 : i32
      %eq3A_229 = vector.broadcast %eq3A_228 : i32 to vector<1x128xi32>
      %eq3A_230 = arith.cmpi eq, %iota3A_60, %eq3A_229 : vector<1x128xi32>
      %slice3A_231 = vector.extract_strided_slice %scan3A_177#1 {offsets = [8, 0], sizes = [1, 1], strides = [1, 1]} : vector<32x1xi32> to vector<1x1xi32>
      %squeeze3A_232 = vector.extract %slice3A_231[0, 0] : i32 from vector<1x1xi32>
      %broadcast_in_dim3A_233 = vector.broadcast %squeeze3A_232 : i32 to vector<1x128xi32>
      %select_n3A_234 = arith.select %eq3A_230, %broadcast_in_dim3A_233, %select_n3A_227 : vector<1x128xi1>, vector<1x128xi32>
      %eq3A_235 = arith.constant 8 : i32
      %eq3A_236 = vector.broadcast %eq3A_235 : i32 to vector<1x128xi32>
      %eq3A_237 = arith.cmpi eq, %iota3A_60, %eq3A_236 : vector<1x128xi32>
      %slice3A_238 = vector.extract_strided_slice %scan3A_177#1 {offsets = [9, 0], sizes = [1, 1], strides = [1, 1]} : vector<32x1xi32> to vector<1x1xi32>
      %squeeze3A_239 = vector.extract %slice3A_238[0, 0] : i32 from vector<1x1xi32>
      %broadcast_in_dim3A_240 = vector.broadcast %squeeze3A_239 : i32 to vector<1x128xi32>
      %select_n3A_241 = arith.select %eq3A_237, %broadcast_in_dim3A_240, %select_n3A_234 : vector<1x128xi1>, vector<1x128xi32>
      %eq3A_242 = arith.constant 9 : i32
      %eq3A_243 = vector.broadcast %eq3A_242 : i32 to vector<1x128xi32>
      %eq3A_244 = arith.cmpi eq, %iota3A_60, %eq3A_243 : vector<1x128xi32>
      %slice3A_245 = vector.extract_strided_slice %scan3A_177#1 {offsets = [10, 0], sizes = [1, 1], strides = [1, 1]} : vector<32x1xi32> to vector<1x1xi32>
      %squeeze3A_246 = vector.extract %slice3A_245[0, 0] : i32 from vector<1x1xi32>
      %broadcast_in_dim3A_247 = vector.broadcast %squeeze3A_246 : i32 to vector<1x128xi32>
      %select_n3A_248 = arith.select %eq3A_244, %broadcast_in_dim3A_247, %select_n3A_241 : vector<1x128xi1>, vector<1x128xi32>
      %eq3A_249 = arith.constant 10 : i32
      %eq3A_250 = vector.broadcast %eq3A_249 : i32 to vector<1x128xi32>
      %eq3A_251 = arith.cmpi eq, %iota3A_60, %eq3A_250 : vector<1x128xi32>
      %slice3A_252 = vector.extract_strided_slice %scan3A_177#1 {offsets = [11, 0], sizes = [1, 1], strides = [1, 1]} : vector<32x1xi32> to vector<1x1xi32>
      %squeeze3A_253 = vector.extract %slice3A_252[0, 0] : i32 from vector<1x1xi32>
      %broadcast_in_dim3A_254 = vector.broadcast %squeeze3A_253 : i32 to vector<1x128xi32>
      %select_n3A_255 = arith.select %eq3A_251, %broadcast_in_dim3A_254, %select_n3A_248 : vector<1x128xi1>, vector<1x128xi32>
      %eq3A_256 = arith.constant 11 : i32
      %eq3A_257 = vector.broadcast %eq3A_256 : i32 to vector<1x128xi32>
      %eq3A_258 = arith.cmpi eq, %iota3A_60, %eq3A_257 : vector<1x128xi32>
      %slice3A_259 = vector.extract_strided_slice %scan3A_177#1 {offsets = [12, 0], sizes = [1, 1], strides = [1, 1]} : vector<32x1xi32> to vector<1x1xi32>
      %squeeze3A_260 = vector.extract %slice3A_259[0, 0] : i32 from vector<1x1xi32>
      %broadcast_in_dim3A_261 = vector.broadcast %squeeze3A_260 : i32 to vector<1x128xi32>
      %select_n3A_262 = arith.select %eq3A_258, %broadcast_in_dim3A_261, %select_n3A_255 : vector<1x128xi1>, vector<1x128xi32>
      %eq3A_263 = arith.constant 12 : i32
      %eq3A_264 = vector.broadcast %eq3A_263 : i32 to vector<1x128xi32>
      %eq3A_265 = arith.cmpi eq, %iota3A_60, %eq3A_264 : vector<1x128xi32>
      %slice3A_266 = vector.extract_strided_slice %scan3A_177#1 {offsets = [13, 0], sizes = [1, 1], strides = [1, 1]} : vector<32x1xi32> to vector<1x1xi32>
      %squeeze3A_267 = vector.extract %slice3A_266[0, 0] : i32 from vector<1x1xi32>
      %broadcast_in_dim3A_268 = vector.broadcast %squeeze3A_267 : i32 to vector<1x128xi32>
      %select_n3A_269 = arith.select %eq3A_265, %broadcast_in_dim3A_268, %select_n3A_262 : vector<1x128xi1>, vector<1x128xi32>
      %eq3A_270 = arith.constant 13 : i32
      %eq3A_271 = vector.broadcast %eq3A_270 : i32 to vector<1x128xi32>
      %eq3A_272 = arith.cmpi eq, %iota3A_60, %eq3A_271 : vector<1x128xi32>
      %slice3A_273 = vector.extract_strided_slice %scan3A_177#1 {offsets = [14, 0], sizes = [1, 1], strides = [1, 1]} : vector<32x1xi32> to vector<1x1xi32>
      %squeeze3A_274 = vector.extract %slice3A_273[0, 0] : i32 from vector<1x1xi32>
      %broadcast_in_dim3A_275 = vector.broadcast %squeeze3A_274 : i32 to vector<1x128xi32>
      %select_n3A_276 = arith.select %eq3A_272, %broadcast_in_dim3A_275, %select_n3A_269 : vector<1x128xi1>, vector<1x128xi32>
      %eq3A_277 = arith.constant 14 : i32
      %eq3A_278 = vector.broadcast %eq3A_277 : i32 to vector<1x128xi32>
      %eq3A_279 = arith.cmpi eq, %iota3A_60, %eq3A_278 : vector<1x128xi32>
      %slice3A_280 = vector.extract_strided_slice %scan3A_177#1 {offsets = [15, 0], sizes = [1, 1], strides = [1, 1]} : vector<32x1xi32> to vector<1x1xi32>
      %squeeze3A_281 = vector.extract %slice3A_280[0, 0] : i32 from vector<1x1xi32>
      %broadcast_in_dim3A_282 = vector.broadcast %squeeze3A_281 : i32 to vector<1x128xi32>
      %select_n3A_283 = arith.select %eq3A_279, %broadcast_in_dim3A_282, %select_n3A_276 : vector<1x128xi1>, vector<1x128xi32>
      %eq3A_284 = arith.constant 15 : i32
      %eq3A_285 = vector.broadcast %eq3A_284 : i32 to vector<1x128xi32>
      %eq3A_286 = arith.cmpi eq, %iota3A_60, %eq3A_285 : vector<1x128xi32>
      %slice3A_287 = vector.extract_strided_slice %scan3A_177#1 {offsets = [16, 0], sizes = [1, 1], strides = [1, 1]} : vector<32x1xi32> to vector<1x1xi32>
      %squeeze3A_288 = vector.extract %slice3A_287[0, 0] : i32 from vector<1x1xi32>
      %broadcast_in_dim3A_289 = vector.broadcast %squeeze3A_288 : i32 to vector<1x128xi32>
      %select_n3A_290 = arith.select %eq3A_286, %broadcast_in_dim3A_289, %select_n3A_283 : vector<1x128xi1>, vector<1x128xi32>
      %eq3A_291 = arith.constant 16 : i32
      %eq3A_292 = vector.broadcast %eq3A_291 : i32 to vector<1x128xi32>
      %eq3A_293 = arith.cmpi eq, %iota3A_60, %eq3A_292 : vector<1x128xi32>
      %slice3A_294 = vector.extract_strided_slice %scan3A_177#1 {offsets = [17, 0], sizes = [1, 1], strides = [1, 1]} : vector<32x1xi32> to vector<1x1xi32>
      %squeeze3A_295 = vector.extract %slice3A_294[0, 0] : i32 from vector<1x1xi32>
      %broadcast_in_dim3A_296 = vector.broadcast %squeeze3A_295 : i32 to vector<1x128xi32>
      %select_n3A_297 = arith.select %eq3A_293, %broadcast_in_dim3A_296, %select_n3A_290 : vector<1x128xi1>, vector<1x128xi32>
      %eq3A_298 = arith.constant 17 : i32
      %eq3A_299 = vector.broadcast %eq3A_298 : i32 to vector<1x128xi32>
      %eq3A_300 = arith.cmpi eq, %iota3A_60, %eq3A_299 : vector<1x128xi32>
      %slice3A_301 = vector.extract_strided_slice %scan3A_177#1 {offsets = [18, 0], sizes = [1, 1], strides = [1, 1]} : vector<32x1xi32> to vector<1x1xi32>
      %squeeze3A_302 = vector.extract %slice3A_301[0, 0] : i32 from vector<1x1xi32>
      %broadcast_in_dim3A_303 = vector.broadcast %squeeze3A_302 : i32 to vector<1x128xi32>
      %select_n3A_304 = arith.select %eq3A_300, %broadcast_in_dim3A_303, %select_n3A_297 : vector<1x128xi1>, vector<1x128xi32>
      %eq3A_305 = arith.constant 18 : i32
      %eq3A_306 = vector.broadcast %eq3A_305 : i32 to vector<1x128xi32>
      %eq3A_307 = arith.cmpi eq, %iota3A_60, %eq3A_306 : vector<1x128xi32>
      %slice3A_308 = vector.extract_strided_slice %scan3A_177#1 {offsets = [19, 0], sizes = [1, 1], strides = [1, 1]} : vector<32x1xi32> to vector<1x1xi32>
      %squeeze3A_309 = vector.extract %slice3A_308[0, 0] : i32 from vector<1x1xi32>
      %broadcast_in_dim3A_310 = vector.broadcast %squeeze3A_309 : i32 to vector<1x128xi32>
      %select_n3A_311 = arith.select %eq3A_307, %broadcast_in_dim3A_310, %select_n3A_304 : vector<1x128xi1>, vector<1x128xi32>
      %eq3A_312 = arith.constant 19 : i32
      %eq3A_313 = vector.broadcast %eq3A_312 : i32 to vector<1x128xi32>
      %eq3A_314 = arith.cmpi eq, %iota3A_60, %eq3A_313 : vector<1x128xi32>
      %slice3A_315 = vector.extract_strided_slice %scan3A_177#1 {offsets = [20, 0], sizes = [1, 1], strides = [1, 1]} : vector<32x1xi32> to vector<1x1xi32>
      %squeeze3A_316 = vector.extract %slice3A_315[0, 0] : i32 from vector<1x1xi32>
      %broadcast_in_dim3A_317 = vector.broadcast %squeeze3A_316 : i32 to vector<1x128xi32>
      %select_n3A_318 = arith.select %eq3A_314, %broadcast_in_dim3A_317, %select_n3A_311 : vector<1x128xi1>, vector<1x128xi32>
      %iota3A_319 = tpu.iota {dimensions = array<i32: 0>} : vector<8x128xi32>
      %eq3A_320 = arith.constant 1 : i32
      %eq3A_321 = vector.broadcast %eq3A_320 : i32 to vector<8x128xi32>
      %eq3A_322 = arith.cmpi eq, %iota3A_319, %eq3A_321 : vector<8x128xi32>
      %eq3A_323 = arith.constant 5 : i32
      %eq3A_324 = vector.broadcast %eq3A_323 : i32 to vector<8x128xi32>
      %eq3A_325 = arith.cmpi eq, %iota3A_319, %eq3A_324 : vector<8x128xi32>
      %broadcast_in_dim3A_326 = vector.shape_cast %select_n3A_318 : vector<1x128xi32> to vector<1x128xi32>
      %broadcast_in_dim3A_327 = vector.broadcast %broadcast_in_dim3A_326 : vector<1x128xi32> to vector<8x128xi32>
      %jit3A_328 = arith.constant 0 : i32
      %broadcast_in_dim3A_329 = vector.broadcast %jit3A_328 : i32 to vector<8x128xi32>
      %select_n3A_330 = arith.select %eq3A_325, %broadcast_in_dim3A_327, %broadcast_in_dim3A_329 : vector<8x128xi1>, vector<8x128xi32>
      %broadcast_in_dim3A_331 = vector.broadcast %reduce_min3A_59 : i32 to vector<8x128xi32>
      %select_n3A_332 = arith.select %eq3A_322, %broadcast_in_dim3A_331, %select_n3A_330 : vector<8x128xi1>, vector<8x128xi32>
      %swap3A_333 = arith.constant 0 : index
      %swap3A_334 = arith.constant 0 : index
      %swap3A_335 = vector.load %arg7[%swap3A_333, %swap3A_334] : memref<8x128xi32, #tpu.memory_space<vmem>>, vector<8x128xi32>
      tpu.vector_store %arg7[%swap3A_333, %swap3A_334], %select_n3A_332 {strides = array<i32>} : memref<8x128xi32, #tpu.memory_space<vmem>>, vector<8x128xi32>,
    } else {
    }
    %get3A_81 = arith.constant 0 : index
    %get3A_82 = arith.constant 0 : index
    %get3A_83 = vector.load %arg4[%get3A_81, %get3A_82] : memref<8x128xf32, #tpu.memory_space<vmem>>, vector<8x128xf32>
    %get3A_84 = arith.constant 0 : index
    %get3A_85 = memref.load %arg1[%get3A_84] : memref<1xf32, #tpu.memory_space<smem>>
    %abs3A_86 = math.absf %get3A_83 : vector<8x128xf32>
    %reduce_max3A_87 = vector.shape_cast %abs3A_86 : vector<8x128xf32> to vector<1x8x128xf32>
    %reduce_max3A_88 = arith.constant dense<0xFF800000> : vector<1xf32>
    %reduce_max3A_89 = vector.multi_reduction <maximumf>, %reduce_max3A_87, %reduce_max3A_88 [1, 2] : vector<1x8x128xf32> to vector<1xf32>
    %reduce_max3A_90 = vector.shape_cast %reduce_max3A_89 : vector<1xf32> to vector<1x1x1xf32>
    %reduce_max3A_91 = vector.extract %reduce_max3A_90[0, 0, 0] : f32 from vector<1x1x1xf32>
    %max3A = arith.constant 0.00999999977 : f32
    %max3A_92 = arith.maximumf %reduce_max3A_91, %max3A : f32
    %mul3A_93 = arith.mulf %get3A_85, %max3A_92 : f32
    %add3A_94 = vector.broadcast %mul3A_93 : f32 to vector<8x128xf32>
    %add3A_95 = arith.addf %get3A_83, %add3A_94 : vector<8x128xf32>
    %jit3A_96 = arith.constant -1.000000e+00 : f32
    %jit3A_97 = arith.constant 0.000000e+00 : f32
    %max3A_98 = vector.broadcast %jit3A_96 : f32 to vector<8x128xf32>
    %max3A_99 = arith.maximumf %max3A_98, %add3A_95 : vector<8x128xf32>
    %min3A = vector.broadcast %jit3A_97 : f32 to vector<8x128xf32>
    %min3A_100 = arith.minimumf %min3A, %max3A_99 : vector<8x128xf32>
    %swap3A_101 = arith.constant 0 : index
    %swap3A_102 = arith.constant 0 : index
    %swap3A_103 = vector.load %arg8[%swap3A_101, %swap3A_102] : memref<9x128xf32, #tpu.memory_space<vmem>>, vector<8x128xf32>
    tpu.vector_store %arg8[%swap3A_101, %swap3A_102], %min3A_100 {strides = array<i32>} : memref<9x128xf32, #tpu.memory_space<vmem>>, vector<8x128xf32>,
    %add3A_104 = arith.constant -0.00999999977 : f32
    %add3A_105 = arith.addf %add3A_104, %mul3A_93 : f32
    %jit3A_106 = arith.constant -1.000000e+00 : f32
    %jit3A_107 = arith.constant 0.000000e+00 : f32
    %max3A_108 = arith.maximumf %jit3A_106, %add3A_105 : f32
    %min3A_109 = arith.minimumf %jit3A_107, %max3A_108 : f32
    %broadcast_in_dim3A_110 = vector.broadcast %min3A_109 : f32 to vector<1x128xf32>
    %swap3A_111 = arith.constant 8 : index
    %swap3A_112 = arith.constant 0 : index
    %swap3A_113 = vector.load %arg8[%swap3A_111, %swap3A_112] : memref<9x128xf32, #tpu.memory_space<vmem>>, vector<1x128xf32>
    tpu.vector_store %arg8[%swap3A_111, %swap3A_112], %broadcast_in_dim3A_110 {strides = array<i32>} : memref<9x128xf32, #tpu.memory_space<vmem>>, vector<1x128xf32>,
    return
  }
}

</mosaic_0001>

<sc_bundles>
// kernel: kernel.5.cloned.1.call-start
scs
__scs_entry_jumppad:
0x0: {  	(pc) =	sbr.rel $0x88, $3  }
0x1: {  	(tag) =	ssettag $0x0;
	lr =	simm.s32 $0x1  }
0x2: {  	[smem:$0x3F9B] =	sst lr;
	_ =	strace $0xD0000000  }
0x3: {  	_ = 	snop  }
0x4: {  	_ = 	snop  }
0x5: {  	_ = 	snop  }
0x6: {  	_ = 	snop  }
0x7: {  	_ = 	snop  }
__scs_overlays_trampoline_lowered:
0x8: {  	[smem:$0x3FAA] =	sst s0  }
0x9: {  	[smem:$0x3FAB] =	sst s1  }
0xa: {  	[smem:$0x3FAC] =	sst s2  }
0xb: {  	[smem:$0x3FAD] =	sst s3  }
0xc: {  	[smem:$0x3FAE] =	sst s4  }
0xd: {  	[smem:$0x3FAF] =	sst s5  }
0xe: {  	[smem:$0x3FB0] =	sst s6  }
0xf: {  	[smem:$0x3FB1] =	sst s7  }
0x10: {  	[smem:$0x3FB2] =	sst s8  }
0x11: {  	[smem:$0x3FB3] =	sst s9;
	s0 =	simm.s32 @!p0 $0x0  }
0x12: {  	s1 =	sld [smem:$0x3F99];
	s0 =	simm.s32 @p0 $0x1  }
0x13: {  	[smem:$0x3FB4] =	sst s0;
	s0 =	simm.s32 @!p1 $0x0  }
0x14: {  	s2 =	sld [smem:$0x3F98];
	s0 =	simm.s32 @p1 $0x1  }
0x15: {  	[smem:$0x3FB5] =	sst s0;
	s0 =	simm.s32 @!p2 $0x0  }
0x16: {  	s3 =	sld [smem:$0x3FDB];
	s0 =	simm.s32 @p2 $0x1  }
0x17: {  	s4 =	simm.s32 $0x1BF5;
	[smem:$0x3FB7] =	sst s0  }
0x18: {  	s0 =	sld [smem:$0x3F9A];
	_ =	swait.ge [sflag:s4], $0x0  }
0x19: {  	s7 =	sld [smem:$0x3F9B]  }
0x1a: {  	s8 =	sadd.s32 $0xFFFFE003, lr  }
0x1b: {  	s9 =	sadd.s32 $0xFFFFFEF7, lr;
	s5 =	simm.s32 $0xFFFFFFFF;
	p2 =	slt.u32 s8, $0xFFFFF086  }
0x1c: {  	p1 =	slt.u32 s9, $0xF7A;
	s5 =	simm.s32 @!p2 $0x0  }
0x1d: {  	s5 =	simm.s32 @p1 $0x1;
	p0 =	seq.s32 s7, s2  }
0x1e: {  	s7 =	smul.u32 @!p0 $0xF7A, s2;
	p2 =	seq.s32 @!p0 s5, $0x0  }
0x1f: {  	s9 =	smul.u32 $0xF7A, s1;
	s8 =	simm.s32 @!p0 $0x1BF5;
	p2 =	por !p2, p0  }
0x20: {  	[sflag:s8] =	ssyncset.s32 @!p0 $0xFFFFF086;
	s6 =	sadd.s32 @!p0 s3, s7;
	s7 =	simm.s32 @!p0 $0x108  }
0x21: {  	s3 =	sadd.s32 s3, s9;
	s6 =	sadd.s32 @!p0 $0x88, s6;
	s7 =	simm.s32 @p2 $0x1082  }
0x22: {  	[simem:s7], [sflag:s8] =	dma.local @!p0 [hbm:s6], $0xF7A  }
0x23: {  	s9 =	sor.u32 $0xD0000000, s2;
	s6 =	simm.s32 $0x108;
	_ =	swait.ge @!p0 [sflag:s8], $0x0  }
0x24: {  	s3 =	sadd.s32 $0x88, s3;
	s6 =	simm.s32 @!p1 $0x1082;
	[sflag:s4] =	ssyncset.s32 $0xFFFFF086  }
0x25: {  	[simem:s6], [sflag:s4] =	dma.local [hbm:s3], $0xF7A  }
0x26: {  	[smem:$0x3F9B] =	sst s1;
	(tag) =	ssettag s2;
	_ =	strace s9  }
0x27: {  	s1 =	sld [smem:$0x3FAB]  }
0x28: {  	s2 =	sld [smem:$0x3FAC]  }
0x29: {  	s4 =	sld [smem:$0x3FAE]  }
0x2a: {  	p0 =	seq.s32 s5, $0x0;
	s5 =	sld [smem:$0x3FAF]  }
0x2b: {  	s6 =	sld [smem:$0x3FB0]  }
0x2c: {  	s7 =	sld [smem:$0x3FB1]  }
0x2d: {  	s3 =	simm.s32 $0x108;
	s8 =	sld [smem:$0x3FB2]  }
0x2e: {  	s3 =	simm.s32 @!p0 $0x1082;
	s9 =	sld [smem:$0x3FB3]  }
0x2f: {  	lr =	sadd.s32 s0, s3;
	s0 =	sld [smem:$0x3FAA]  }
0x30: {  	s3 =	sld [smem:$0x3FAD]  }
0x31: {  	[smem:$0x3FB6] =	sst s10  }
0x32: {  	s10 =	sld [smem:$0x3FB4];
	_ =	sdelay $0x3  }
0x33: {  	p0 =	seq.s32 s10, $0x1;
	s10 =	sld [smem:$0x3FB6];
	_ =	sdelay $0x3  }
0x34: {  	[smem:$0x3FB6] =	sst s10  }
0x35: {  	s10 =	sld [smem:$0x3FB5];
	_ =	sdelay $0x3  }
0x36: {  	p1 =	seq.s32 s10, $0x1;
	s10 =	sld [smem:$0x3FB6];
	_ =	sdelay $0x3  }
0x37: {  	[smem:$0x3FB6] =	sst s10  }
0x38: {  	s10 =	sld [smem:$0x3FB7]  }
0x39: {  	_ = 	snop;
	(pc) =	sbr.ind lr, $3  }
0x3a: {  	_ = 	snop  }
0x3b: {  	_ = 	snop  }
0x3c: {  	p2 =	seq.s32 s10, $0x1;
	s10 =	sld [smem:$0x3FB6]  }
0x3d: {  	_ =	shalt  }
0x3e: {  	_ =	shalt  }
0x3f: {  	_ =	shalt  }
0x40: {  	_ =	shalt  }
0x41: {  	_ =	shalt  }
0x42: {  	_ =	shalt  }
0x43: {  	_ =	shalt  }
0x44: {  	_ =	shalt  }
0x45: {  	_ =	shalt  }
0x46: {  	_ =	shalt  }
0x47: {  	_ =	shalt  }
0x48: {  	_ =	shalt  }
0x49: {  	_ =	shalt  }
0x4a: {  	_ =	shalt  }
0x4b: {  	_ =	shalt  }
0x4c: {  	_ =	shalt  }
0x4d: {  	_ =	shalt  }
0x4e: {  	_ =	shalt  }
0x4f: {  	_ =	shalt  }
0x50: {  	_ =	shalt  }
0x51: {  	_ =	shalt  }
0x52: {  	_ =	shalt  }
0x53: {  	_ =	shalt  }
0x54: {  	_ =	shalt  }
0x55: {  	_ =	shalt  }
0x56: {  	_ =	shalt  }
0x57: {  	_ =	shalt  }
0x58: {  	_ =	shalt  }
0x59: {  	_ =	shalt  }
0x5a: {  	_ =	shalt  }
0x5b: {  	_ =	shalt  }
0x5c: {  	_ =	shalt  }
0x5d: {  	_ =	shalt  }
0x5e: {  	_ =	shalt  }
0x5f: {  	_ =	shalt  }
0x60: {  	_ =	shalt  }
0x61: {  	_ =	shalt  }
0x62: {  	_ =	shalt  }
0x63: {  	_ =	shalt  }
0x64: {  	_ =	shalt  }
0x65: {  	_ =	shalt  }
0x66: {  	_ =	shalt  }
0x67: {  	_ =	shalt  }
0x68: {  	_ =	shalt  }
0x69: {  	_ =	shalt  }
0x6a: {  	_ =	shalt  }
0x6b: {  	_ =	shalt  }
0x6c: {  	_ =	shalt  }
0x6d: {  	_ =	shalt  }
0x6e: {  	_ =	shalt  }
0x6f: {  	_ =	shalt  }
0x70: {  	_ =	shalt  }
0x71: {  	_ =	shalt  }
0x72: {  	_ =	shalt  }
0x73: {  	_ =	shalt  }
0x74: {  	_ =	shalt  }
0x75: {  	_ =	shalt  }
0x76: {  	_ =	shalt  }
0x77: {  	_ =	shalt  }
0x78: {  	_ =	shalt  }
0x79: {  	_ =	shalt  }
0x7a: {  	_ =	shalt  }
0x7b: {  	_ =	shalt  }
0x7c: {  	_ =	shalt  }
0x7d: {  	_ =	shalt  }
0x7e: {  	_ =	shalt  }
0x7f: {  	_ =	shalt  }
0x80: {  	_ =	shalt  }
0x81: {  	_ =	shalt  }
0x82: {  	_ =	shalt  }
0x83: {  	_ =	shalt  }
0x84: {  	_ =	shalt  }
0x85: {  	_ =	shalt  }
0x86: {  	_ =	shalt  }
0x87: {  	_ =	shalt  }
.Lfunc_end0:
.L_simem_size_0:
called_computation_lowered:
.L_overlay_start_0:
0x88: {  	s2 =	sld [smem:$0x3FD9]  }
0x89: {  	s3 =	sld [smem:$0x3FFE];
	_ =	sdelay $0x1  }
0x8a: {  	s1 =	srdreg.scid  }
0x8b: {  	s0 =	sand.u32 $0x1, s1  }
0x8c: {  	s15 =	sshll.u32 s0, $0xA;
	s2 =	sadd.s32 s3, s2  }
0x8d: {  	s2 =	sadd.s32 s2, s15  }
0x8e: {  	[smem:$0x3FC2] =	sst s2  }
0x8f: {  	_ = 	snop  }
0x90: {  	s2 =	sld [smem:$0x3FD0];
	_ =	sdelay $0x1  }
0x91: {  	s16 =	sld [smem:$0x3FC5]  }
0x92: {  	s5 =	simm.s32 $0xA;
	s6 =	simm.s32 $0x10;
	s4 =	sld [smem:$0x3FC4]  }
0x93: {  	[smem:s6], [sflag:s5] =	dma.local [hbm:s2], $0x1  }
0x94: {  	_ =	swait.eq [sflag:s5], $0x1  }
0x95: {  	[sflag:s5] =	ssyncset.done $0x0  }
0x96: {  	s17 =	sld [smem:$0x10];
	[sflag:s5] =	ssyncadd.s32 $0xFFFFFFFF  }
0x97: {  	s18 =	sld [smem:$0x11];
	(tm) =	ssettm $0x1  }
0x98: {  	s19 =	sld [smem:$0x3FFB];
	_ =	sdelay $0x3  }
0x99: {  	_ =	strace s19  }
0x9a: {  	s6 =	sld [smem:$0x3FFC];
	_ =	sdelay $0x3  }
0x9b: {  	_ =	strace s6  }
0x9c: {  	s6 =	sld [smem:$0x3FFD];
	_ =	sdelay $0x3  }
0x9d: {  	_ =	strace s6  }
0x9e: {  	_ =	strace $0x8FFFFFFF  }
0x9f: {  	s20 =	sld [smem:$0x3FDB];
	_ =	sdelay $0x1  }
0xa0: {  	s7 =	simm.s32 $_scs_section_size  }
0xa1: {  	s8 =	simm.s32 $_size__tile_overlayer_lowered;
	s9 =	simm.s32 $_tile_overlayer_lowered  }
0xa2: {  	s23 =	simm.s32 $0x1BFF;
	s22 =	sshll.u32 s9, $0x1;
	s6 =	sadd.s32 s7, s20  }
0xa3: {  	s10 =	simm.s32 $0x0;
	s21 =	sshll.u32 s8, $0x1;
	s8 =	sadd.s32 s22, s6  }
0xa4: {  	[timem:s10], [sflag:s23] =	dma.local [hbm:s8], s21  }
0xa5: {  	_ =	swait.ge [sflag:s23], s21  }
0xa6: {  	s7 =	ssub.s32 $0x0, s21;
	[sflag:s23] =	ssyncset.done $0x0  }
0xa7: {  	[sflag:s23] =	ssyncadd.s32 s7;
	_ =	sdelay $0x1  }
0xa8: {  	s24 =	simm.s32 $0x1B8B  }
0xa9: {  	_ =	swait.ge [sflag:s24], $0x1  }
0xaa: {  	[sflag:s24] =	ssyncset.done $0x0  }
0xab: {  	s25 =	simm.s32 $0x1B8E;
	[sflag:s24] =	ssyncadd.s32 $0xFFFFFFFF  }
0xac: {  	s26 =	simm.s32 $execute0_lowered;
	[smem:$0x3FD2] =	sst s25  }
0xad: {  	s7 =	sshll.u32 s26, $0x1;
	_ =	strace $0x80000046;
	[dreg:$0x1] =	wrdreg $0xFFFFFFFF  }
0xae: {  	s28 =	simm.s32 $_size_execute0_lowered;
	s6 =	sadd.s32 s6, s7;
	[dreg:$0x0] =	wrdreg $0x0  }
0xaf: {  	s7 =	sshll.u32 s28, $0x1;
	[dreg:$0x2] =	wrdreg s6  }
0xb0: {  	[dreg:$0x3] =	wrdreg s7  }
0xb1: {  	[dreg:$0x4] =	wrdreg $0xC0  }
0xb2: {  	_ =	task [dreg:s10], $0x5FFFF  }
0xb3: {  	[dreg:$0x1] =	wrdreg $0xFFFFFFFF  }
0xb4: {  	[dreg:$0x0] =	wrdreg $0x60  }
0xb5: {  	[dreg:$0x2] =	wrdreg s18  }
0xb6: {  	[dreg:$0x3] =	wrdreg s16  }
0xb7: {  	[dreg:$0x4] =	wrdreg s4  }
0xb8: {  	[dreg:$0x5] =	wrdreg s17  }
0xb9: {  	[dreg:$0x6] =	wrdreg $0x3000  }
0xba: {  	[dreg:$0x7] =	wrdreg $0x9  }
0xbb: {  	_ =	task.clear_ibuf [dreg:s10], $0x8FFFF;
	_ =	strace $0x90000046  }
0xbc: {  	s29 =	simm.s32 $0x9;
	_ =	strace $0x80000048  }
0xbd: {  	_ =	swait.ge [sflag:s29], $0x1  }
0xbe: {  	[sflag:s29] =	ssyncadd.s32 $0xFFFFFFFF  }
0xbf: {  	_ =	strace $0x90000048  }
0xc0: {  	_ =	sfence  }
0xc1: {  	s30 =	sld [smem:$0x0];
	_ =	sdelay $0x2  }
0xc2: {  	s31 =	sshll.u32 s1, $0xD;
	s1 =	sshrl.u32 s1, $0x2  }
0xc3: {  	s3 =	sand.u32 $0x4000, s31;
	s1 =	sadd.s32 s1, s30  }
0xc4: {  	s0 =	sor.u32 s3, s0;
	s1 =	sshll.u32 s1, $0x11  }
0xc5: {  	s0 =	sor.u32 s1, s0  }
0xc6: {  	s0 =	sadd.s32 $0x8F2B, s0  }
0xc7: {  	[sflag:s0] =	ssyncadd.remote.s32 $0x1  }
0xc8: {  	_ =	sfence.sel $0xFFFF  }
0xc9: {  	[dreg:$0x0] =	wrdreg $0xFFFFFFFF;
	(pc) =	sbr.abs _section_cstart, $3  }
0xca: {  	[dreg:$0x1] =	wrdreg $0xFFFFFFFF  }
0xcb: {  	_ =	task.clear_ibuf [dreg:s10], $0x2FFFF;
	_ =	strace $0x9FFFFFFF  }
0xcc: {  	(tm) =	ssettm $0x7FFFFFFF  }
0xcd: {  	_ =	shalt  }
tec
execute0_lowered:
.L_overlay_start_1:
0x0: {  	(tag) =	ssettag $0x1  }
0x1: {  	s1 =	srdreg.scid  }
0x2: {  	s8 =	rddreg [dreg:$0x0];
	s1 =	sand.u32 $0x1, s1  }
0x3: {  	s9 =	rddreg [dreg:$0x1];
	p0 =	seq.s32 s1, $0x1  }
.Ltmp0:
0x4: {  	s10 =	rddreg [dreg:$0x2];
	(pc) =	sbr.rel @p0 .LBB2_2-.Ltmp0, $4  }
0x5: {  	s2 =	rddreg [dreg:$0x3]  }
0x6: {  	s3 =	rddreg [dreg:$0x4];
	s11 =	simm.s32 $0x0  }
0x7: {  	[smem:$0x7FF] =	sst s11  }
0x8: {  	s0 =	rddreg [dreg:$0x5];
	_ =	strace $0x80000047;
	s1 =	stileid.u32  }
0x9: {  	s4 =	sshll.u32 s1, $0x6;
	s12 =	sshll.u32 s1, $0x9  }
0xa: {  	s7 =	sshll.u32 s1, $0xE;
	s5 =	sor.u32 s4, s12  }
0xb: {  	s15 =	sshll.u32 s1, $0xB;
	s18 =	simm.s32 $0x3;
	s5 =	sand.u32 $0x1C40, s5  }
0xc: {  	s16 =	sadd.s32 s7, s3;
	s17 =	sadd.s32 s8, s15;
	s6 =	sshrl.u32 s5, $0x3  }
0xd: {  	s14 =	sor.u32 $0x1C01, s4;
	s13 =	sadd.s32 s9, s6;
	s6 =	sshrl.u32 s16, $0x3  }
0xe: {  	[spmem:s6], [sflag:s14] =	dma.local [hbm:s17], $0x800  }
0xf: {  	[tilespmem:s11], [sflag:$0x3] =	stream.linear.gather [hbm4b:s13+s11], $0x40, $0x38;
	[tilespmem:$0x4300] =	vst v63  }
0x10: {  	_ =	swait.ge [sflag:s18], $0x40  }
0x11: {  	s20 =	simm.s32 $0x80;
	s19 =	sand.u32 $0x40, s4;
	[sflag:s18] =	ssyncset.done $0x0  }
0x12: {  	s12 =	sor.u32 s12, s19;
	s13 =	sadd.s32 $0x10, s13;
	[sflag:s18] =	ssyncadd.s32 $0xFFFFFFC0  }
0x13: {  	[tilespmem:s20], [sflag:$0x3] =	stream.linear.gather [hbm4b:s13+s11], $0x40, $0x38;
	[tilespmem:$0x4300] =	vst v63  }
0x14: {  	s12 =	sshrl.u32 s12, $0x3;
	_ =	swait.ge [sflag:s18], $0x40  }
0x15: {  	s21 =	sor.u32 $0x40, s12;
	[sflag:s18] =	ssyncset.done $0x0  }
0x16: {  	s22 =	simm.s32 $0x100;
	s13 =	sadd.s32 s9, s21;
	[sflag:s18] =	ssyncadd.s32 $0xFFFFFFC0  }
0x17: {  	[tilespmem:s22], [sflag:$0x3] =	stream.linear.gather [hbm4b:s13+s11], $0x40, $0x38;
	[tilespmem:$0x4300] =	vst v63  }
0x18: {  	_ =	swait.ge [sflag:s18], $0x40  }
0x19: {  	s12 =	sor.u32 $0x50, s12;
	[sflag:s18] =	ssyncset.done $0x0  }
0x1a: {  	s23 =	simm.s32 $0x180;
	s12 =	sadd.s32 s9, s12;
	[sflag:s18] =	ssyncadd.s32 $0xFFFFFFC0  }
0x1b: {  	[tilespmem:s23], [sflag:$0x3] =	stream.linear.gather [hbm4b:s12+s11], $0x40, $0x38;
	[tilespmem:$0x4300] =	vst v63  }
0x1c: {  	_ =	swait.ge [sflag:s18], $0x40  }
0x1d: {  	s24 =	sshll.u32 s1, $0x3;
	[sflag:s18] =	ssyncset.done $0x0  }
0x1e: {  	s25 =	simm.s32 $0x200;
	s10 =	sadd.s32 s10, s24;
	[sflag:s18] =	ssyncadd.s32 $0xFFFFFFC0  }
0x1f: {  	[tilespmem:s25], [sflag:$0x3] =	stream.linear.gather [hbm4b:s10+s11], $0x40, $0x38;
	[tilespmem:$0x4300] =	vst v63  }
0x20: {  	_ =	swait.ge [sflag:s18], $0x40  }
0x21: {  	[sflag:s18] =	ssyncset.done $0x0  }
0x22: {  	[sflag:s18] =	ssyncadd.s32 $0xFFFFFFC0  }
0x23: {  	v0 =	vld [tilespmem:$0x100]  }
0x24: {  	v1 =	vld [tilespmem:$0x180]  }
0x25: {  	v2 =	vld [tilespmem:$0x0]  }
0x26: {  	v3 =	vld [tilespmem:$0x80]  }
0x27: {  	v4 =	vld [tilespmem:$0x110]  }
0x28: {  	v5 =	vld [tilespmem:$0x190]  }
0x29: {  	v6 =	vld [tilespmem:$0x10]  }
0x2a: {  	v7 =	vld [tilespmem:$0x90]  }
0x2b: {  	v8 =	vld [tilespmem:$0x120]  }
0x2c: {  	v9 =	vld [tilespmem:$0x1A0]  }
0x2d: {  	v10 =	vld [tilespmem:$0x20]  }
0x2e: {  	v11 =	vld [tilespmem:$0xA0]  }
0x2f: {  	v12 =	vld [tilespmem:$0x130];
	v0 =	vshll.u32 v0, $0xD  }
0x30: {  	v37 =	vld [tilespmem:$0x1B0];
	v36 =	vshll.u32 v2, $0xD;
	v0 =	vadd.s32 v1, v0  }
0x31: {  	v40 =	vld [tilespmem:$0x30];
	v39 =	vshll.u32 v4, $0xD;
	v38 =	vadd.s32 v3, v36;
	[tilespmem:$0x180] =	vst v0  }
0x32: {  	v43 =	vld [tilespmem:$0xB0];
	v42 =	vshll.u32 v6, $0xD;
	v41 =	vadd.s32 v5, v39;
	[tilespmem:$0x100] =	vst v38  }
0x33: {  	v45 =	vshll.u32 v8, $0xD;
	v44 =	vadd.s32 v7, v42;
	[tilespmem:$0x190] =	vst v41  }
0x34: {  	v47 =	vshll.u32 v10, $0xD;
	v46 =	vadd.s32 v9, v45;
	[tilespmem:$0x110] =	vst v44  }
0x35: {  	v49 =	vshll.u32 v12, $0xD;
	v48 =	vadd.s32 v11, v47;
	[tilespmem:$0x1A0] =	vst v46  }
0x36: {  	v51 =	vshll.u32 v40, $0xD;
	v50 =	vadd.s32 v37, v49;
	[tilespmem:$0x120] =	vst v48  }
0x37: {  	v52 =	vadd.s32 v43, v51;
	[tilespmem:$0x1B0] =	vst v50  }
0x38: {  	s26 =	simm.s32 $0x40;
	s28 =	simm.s32 $0x280;
	s29 =	simm.s32 $0x2;
	[tilespmem:$0x130] =	vst v52  }
0x39: {  	[tilespmem:s28], [sflag:$0x2] =	stream.indirect.gather [hbm4b:s8+s26], $0x1, s22, s26, $0xb8;
	[tilespmem:$0x4300] =	vst v63  }
0x3a: {  	_ =	swait.ge [sflag:s29], $0x40  }
0x3b: {  	[sflag:s29] =	ssyncset.done $0x0  }
0x3c: {  	[sflag:s29] =	ssyncadd.s32 $0xFFFFFFC0  }
0x3d: {  	v53 =	vld [tilespmem:$0x280]  }
0x3e: {  	v54 =	vld [tilespmem:$0x200]  }
0x3f: {  	v55 =	vld [tilespmem:$0x290]  }
0x40: {  	v56 =	vld [tilespmem:$0x210]  }
0x41: {  	v57 =	vld [tilespmem:$0x2A0]  }
0x42: {  	v58 =	vld [tilespmem:$0x220]  }
0x43: {  	v59 =	vld [tilespmem:$0x2B0]  }
0x44: {  	v60 =	vld [tilespmem:$0x230];
	_ =	sdelay $0x1  }
0x45: {  	v0 =	vmul.f32 v54, v53  }
0x46: {  	v61 =	vmul.f32 v56, v55  }
0x47: {  	v62 =	vmul.f32 v58, v57;
	[tilespmem:$0x280] =	vst v0  }
0x48: {  	v63 =	vmul.f32 v60, v59;
	[tilespmem:$0x290] =	vst v61  }
0x49: {  	[tilespmem:$0x2A0] =	vst v62  }
0x4a: {  	s30 =	simm.s32 $0x1;
	[tilespmem:$0x2B0] =	vst v63  }
0x4b: {  	_ =	swait.ge [sflag:s30], $0x800  }
0x4c: {  	[sflag:s30] =	ssyncset.done $0x0  }
0x4d: {  	[sflag:s30] =	ssyncadd.s32 $0xFFFFF800  }
0x4e: {  	[bflag:$0x0] =	sbarrier.arrive $0xFFFF  }
0x4f: {  	[spmem:s3] =	stream.indirect.scatter.add.f32 [tilespmem:s28], [sflag:$0x3], $0x1, s23, s26, $0xb8;
	[tilespmem:$0x4300] =	vst v63  }
0x50: {  	_ =	swait.ge [sflag:s18], $0x40  }
0x51: {  	[sflag:s18] =	ssyncset.done $0x0  }
0x52: {  	[sflag:s18] =	ssyncadd.s32 $0xFFFFFFC0  }
0x53: {  	s2 =	sadd.s32 s2, s15;
	s31 =	sor.u32 $0x1C03, s4;
	[bflag:$0x0] =	sbarrier.arrive $0xFFFF  }
0x54: {  	[hbm:s2], [sflag:s31] =	dma.local [spmem:s6], $0x800  }
0x55: {  	_ =	swait.ge [sflag:s18], $0x800  }
0x56: {  	[sflag:s18] =	ssyncset.done $0x0  }
0x57: {  	[sflag:s18] =	ssyncadd.s32 $0xFFFFF800  }
.LBB2_2:
0x58: {  	_ =	sfence.sel $0x180000  }
0x59: {  	[bflag:$0x0] =	sbarrier.arrive $0xFFFF  }
0x5a: {  	p0 =	sne.s32 s1, $0x0;
	_ =	strace $0x90000047  }
0x5b: {  	s0 =	sadd.s32 @!p0 $0x100000, s0;
	[bflag:$0x2] =	sbarrier.arrive $0xFFFF  }
0x5c: {  	[sflag:s0] =	ssyncadd.tile.s32 @!p0 $0x1;
	_ =	shalt  }
.Lfunc_end2:
_tile_overlayer_lowered:
.L_overlay_start_2:
0x5d: {  	(tag) =	ssettag $0x2  }
0x5e: {  	s0 =	rddreg [dreg:$0x0];
	s2 =	stileid.u32  }
0x5f: {  	s1 =	rddreg [dreg:$0x1];
	p0 =	sne.s32 s2, $0x0  }
0x60: {  	s3 =	rddreg [dreg:$0x2];
	[bflag:$0x3] =	sbarrier.arrive $0xFFFF;
	s2 =	simm.s32 @!p0 $0x1C03  }
0x61: {  	[timem:s3], [sflag:s2] =	dma.local @!p0 [hbm:s0], s1  }
0x62: {  	s0 =	simm.s32 @!p0 $0x3  }
0x63: {  	_ =	swait.ge @!p0 [sflag:s0], s1  }
0x64: {  	s1 =	ssub.s32 @!p0 $0x0, s1;
	[sflag:s0] =	ssyncset.done @!p0 $0x0  }
0x65: {  	[sflag:s0] =	ssyncadd.s32 @!p0 s1  }
0x66: {  	[bflag:$0x3] =	sbarrier.arrive $0xFFFF  }
0x67: {  	_ =	shalt  }

</sc_bundles>
